<compile_context>
chip_gen: v7x
topology: tpu7x:2x2x1
jax: 0.10.2.dev20260603
libtpu: 0.0.44.dev20260713+nightly
codegen_flags: <defaults>
</compile_context>

<pallas_src>
import functools

import jax
import jax.numpy as jnp
from jax import lax
from jax.experimental import pallas as pl
from jax.experimental.pallas import tpu as pltpu
from jax.experimental.pallas import tpu_sc as plsc

NODES = 250
COLORS = 40
HID = 128
NODE_F = 4
COLOR_F = 3
N = NODES * COLORS
E = 320000

NC = 2
NS = 16
NW = NC * NS
EPW = E // NW
KB = 128
NBLK = EPW // KB
TAIL = EPW - NBLK * KB
NP = 10112
RPW = NP // NS
HH = HID // 2
EPT = E // NS
NBLK2 = EPT // KB
TAIL2 = EPT - NBLK2 * KB

DEGW = 16


def _sc_mesh():
    return plsc.VectorSubcoreMesh(core_axis_name="c", subcore_axis_name="s")


@functools.partial(
    pl.kernel,
    out_type=jax.ShapeDtypeStruct((2 * NP, DEGW), jnp.float32),
    mesh=_sc_mesh(),
    scratch_types=[
        pltpu.VMEM((KB,), jnp.int32),
        pltpu.VMEM((TAIL,), jnp.int32),
        pltpu.VMEM((KB, DEGW), jnp.float32),
        pltpu.VMEM((TAIL, DEGW), jnp.float32),
        pltpu.VMEM((RPW, DEGW), jnp.float32),
        pltpu.VMEM_SHARED((NP, DEGW), jnp.float32),
    ],
    compiler_params=pltpu.CompilerParams(use_tc_tiling_on_sc=False),
)
def _sc_degree(col_hbm, ones_hbm, zeros_hbm, out_hbm,
               cidx, cidx_t, ones_v, ones_t, wbuf, acc):
    c = lax.axis_index("c")
    s = lax.axis_index("s")
    wid = s * NC + c
    pltpu.sync_copy(ones_hbm, ones_v)
    pltpu.sync_copy(ones_hbm.at[pl.ds(0, TAIL)], ones_t)
    pltpu.sync_copy(zeros_hbm, wbuf)
    pltpu.sync_copy(wbuf, acc.at[pl.ds(s * RPW, RPW)])
    plsc.subcore_barrier()
    base = wid * EPW

    def body(b, carry):
        pltpu.sync_copy(col_hbm.at[pl.ds(base + b * KB, KB)], cidx)
        pltpu.sync_copy(ones_v, acc.at[cidx], add=True)
        return carry

    lax.fori_loop(0, NBLK, body, 0)
    pltpu.sync_copy(col_hbm.at[pl.ds(base + NBLK * KB, TAIL)], cidx_t)
    pltpu.sync_copy(ones_t, acc.at[cidx_t], add=True)
    plsc.subcore_barrier()
    pltpu.sync_copy(acc.at[pl.ds(s * RPW, RPW)], wbuf)
    pltpu.sync_copy(wbuf, out_hbm.at[pl.ds(c * NP + s * RPW, RPW)])


@functools.partial(
    pl.kernel,
    out_type=jax.ShapeDtypeStruct((2 * NP, HH), jnp.float32),
    mesh=_sc_mesh(),
    scratch_types=[
        pltpu.VMEM((KB,), jnp.int32),
        pltpu.VMEM((KB,), jnp.int32),
        pltpu.VMEM((TAIL2,), jnp.int32),
        pltpu.VMEM((TAIL2,), jnp.int32),
        pltpu.VMEM((KB, HH), jnp.float32),
        pltpu.VMEM((TAIL2, HH), jnp.float32),
        pltpu.VMEM((RPW, HH), jnp.float32),
        pltpu.VMEM_SHARED((NP, HH), jnp.float32),
        pltpu.SemaphoreType.DMA,
    ],
    compiler_params=pltpu.CompilerParams(use_tc_tiling_on_sc=False),
)
def _sc_propagate(y_hbm, row_hbm, col_hbm, zeros_hbm, out_hbm,
                  ridx, cidx, ridx_t, cidx_t, rows, rows_t, wbuf, acc, sem):
    c = lax.axis_index("c")
    s = lax.axis_index("s")
    pltpu.sync_copy(zeros_hbm, wbuf)
    pltpu.sync_copy(wbuf, acc.at[pl.ds(s * RPW, RPW)])
    plsc.subcore_barrier()
    base = s * EPT

    def body(b, carry):
        off = base + b * KB
        pltpu.sync_copy(row_hbm.at[pl.ds(off, KB)], ridx)
        pltpu.sync_copy(col_hbm.at[pl.ds(off, KB)], cidx)
        pltpu.async_copy(y_hbm.at[c].at[ridx], rows, sem).wait()
        pltpu.sync_copy(rows, acc.at[cidx], add=True)
        return carry

    lax.fori_loop(0, NBLK2, body, 0)
    off = base + NBLK2 * KB
    pltpu.sync_copy(row_hbm.at[pl.ds(off, TAIL2)], ridx_t)
    pltpu.sync_copy(col_hbm.at[pl.ds(off, TAIL2)], cidx_t)
    pltpu.async_copy(y_hbm.at[c].at[ridx_t], rows_t, sem).wait()
    pltpu.sync_copy(rows_t, acc.at[cidx_t], add=True)
    plsc.subcore_barrier()
    pltpu.sync_copy(acc.at[pl.ds(s * RPW, RPW)], wbuf)
    pltpu.sync_copy(wbuf, out_hbm.at[pl.ds(c * NP + s * RPW, RPW)])


def _tc_head(nf, cf, Wn, Wc, degp):

    def body(nf_ref, cf_ref, wn_ref, wc_ref, degp_ref, y1_ref, dinv_ref):
        deg16 = degp_ref[0] + degp_ref[1]
        deg = deg16[:, 0:1] + 1.0
        dinv = lax.rsqrt(deg)
        np_ = jnp.dot(nf_ref[...], wn_ref[...], preferred_element_type=jnp.float32)
        cp = jnp.dot(cf_ref[...], wc_ref[...], preferred_element_type=jnp.float32)
        xw = (np_[:, None, :] + cp[None, :, :]).reshape(N, HID)
        y = dinv * xw
        y1_ref[0] = y[:, :HH]
        y1_ref[1] = y[:, HH:]
        dinv_ref[...] = dinv

    return pl.pallas_call(
        body,
        out_shape=(
            jax.ShapeDtypeStruct((2, N, HH), jnp.float32),
            jax.ShapeDtypeStruct((N, 1), jnp.float32),
        ),
    )(nf, cf, Wn, Wc, degp)


def _tc_mid(P, y1, b1, W2, dinv):

    def body(P_ref, y1_ref, b1_ref, W2_ref, dinv_ref, y2_ref):
        pm = jnp.concatenate([P_ref[0:N, :], P_ref[NP:NP + N, :]], axis=1)
        y1 = jnp.concatenate([y1_ref[0], y1_ref[1]], axis=1)
        dinv = dinv_ref[...]
        x1 = jnp.maximum(dinv * (pm + y1) + b1_ref[...], 0.0)
        y2 = dinv * jnp.dot(x1, W2_ref[...], preferred_element_type=jnp.float32)
        y2_ref[0] = y2[:, :HH]
        y2_ref[1] = y2[:, HH:]

    return pl.pallas_call(
        body,
        out_shape=jax.ShapeDtypeStruct((2, N, HH), jnp.float32),
    )(P, y1, b1, W2, dinv)


def _tc_out(Q, y2, b2, fcW1, fcb1, fcW2, fcb2, dinv):

    def body(Q_ref, y2_ref, b2_ref, fw1_ref, fb1_ref, fw2_ref, fb2_ref,
             dinv_ref, out_ref):
        qm = jnp.concatenate([Q_ref[0:N, :], Q_ref[NP:NP + N, :]], axis=1)
        y2 = jnp.concatenate([y2_ref[0], y2_ref[1]], axis=1)
        dinv = dinv_ref[...]
        x2 = jnp.maximum(dinv * (qm + y2) + b2_ref[...], 0.0)
        h = jnp.maximum(
            jnp.dot(x2, fw1_ref[...], preferred_element_type=jnp.float32)
            + fb1_ref[...], 0.0)
        out_ref[...] = (
            jnp.dot(h, fw2_ref[...], preferred_element_type=jnp.float32)
            + fb2_ref[...])

    return pl.pallas_call(
        body,
        out_shape=jax.ShapeDtypeStruct((N, 1), jnp.float32),
    )(Q, y2, b2, fcW1, fcb1, fcW2, fcb2, dinv)


def kernel(flat_obs, edge_index, W1, b1, W2, b2, fcW1, fcb1, fcW2, fcb2):
    nf = flat_obs[0, 3:3 + NODES * NODE_F].reshape(NODES, NODE_F)
    cf = flat_obs[0, 3 + NODES * NODE_F:3 + NODES * NODE_F + COLORS * COLOR_F]
    cf = cf.reshape(COLORS, COLOR_F)
    row = edge_index[0].astype(jnp.int32)
    col = edge_index[1].astype(jnp.int32)
    Wn = W1[:NODE_F]
    Wc = W1[NODE_F:]

    ones16 = jnp.ones((KB, DEGW), jnp.float32)
    zeros16 = jnp.zeros((RPW, DEGW), jnp.float32)
    zeros64 = jnp.zeros((RPW, HH), jnp.float32)

    degp = _sc_degree(col, ones16, zeros16).reshape(2, NP, DEGW)[:, :N]
    y1, dinv = _tc_head(nf, cf, Wn, Wc, degp)
    P = _sc_propagate(y1, row, col, zeros64)
    y2 = _tc_mid(P, y1, b1.reshape(1, HID), W2, dinv)
    Q = _sc_propagate(y2, row, col, zeros64)
    q = _tc_out(Q, y2, b2.reshape(1, HID), fcW1, fcb1.reshape(1, HID),
                fcW2, fcb2.reshape(1, 1), dinv)
    return q.reshape(1, N)

# --- scband reference (transcript-rebuilt; emitter-appended) ---
"""Pipeline reference for scband-qnetwork-28561532518999 (READ-ONLY COPY).

The authoritative reference and input builder live on the scoring server;
editing this copy changes nothing except your own understanding.
"""

import jax, jax.numpy as jnp
import numpy as np

NODES = 250
COLORS = 40
HID = 128
NODE_F = 4
COLOR_F = 3
COMB = NODE_F + COLOR_F
B = 1
N = NODES * COLORS
E = 320000


def gcn_conv(x, edge_index, W, b):
    n = x.shape[0]
    row = jnp.concatenate([edge_index[0], jnp.arange(n, dtype=edge_index.dtype)])
    col = jnp.concatenate([edge_index[1], jnp.arange(n, dtype=edge_index.dtype)])
    deg = jnp.zeros((n,), dtype=x.dtype).at[col].add(1.0)
    dinv = jnp.where(deg > 0, 1.0 / jnp.sqrt(deg), 0.0)
    norm = dinv[row] * dinv[col]
    xw = x @ W
    msgs = xw[row] * norm[:, None]
    out = jnp.zeros_like(xw).at[col].add(msgs)
    return out + b


def setup_inputs(seed: int = 0) -> dict:
    key = jax.random.key(seed)
    ks = jax.random.split(key, 12)
    flat_obs = jax.random.normal(ks[0], (B, 3 + NODES * NODE_F + COLORS * COLOR_F), dtype=jnp.float32)
    edge_index = jax.random.randint(ks[1], (2, E), 0, N)
    W1 = jax.random.normal(ks[2], (COMB, HID), dtype=jnp.float32) * (1.0 / np.sqrt(COMB))
    b1 = jnp.zeros((HID,), dtype=jnp.float32)
    W2 = jax.random.normal(ks[3], (HID, HID), dtype=jnp.float32) * (1.0 / np.sqrt(HID))
    b2 = jnp.zeros((HID,), dtype=jnp.float32)
    fcW1 = jax.random.normal(ks[4], (HID, HID), dtype=jnp.float32) * (1.0 / np.sqrt(HID))
    fcb1 = jnp.zeros((HID,), dtype=jnp.float32)
    fcW2 = jax.random.normal(ks[5], (HID, 1), dtype=jnp.float32) * (1.0 / np.sqrt(HID))
    fcb2 = jnp.zeros((1,), dtype=jnp.float32)
    return {"flat_obs": flat_obs, "edge_index": edge_index, "W1": W1, "b1": b1, "W2": W2, "b2": b2, "fcW1": fcW1, "fcb1": fcb1, "fcW2": fcW2, "fcb2": fcb2}


def reference(flat_obs, edge_index, W1, b1, W2, b2, fcW1, fcb1, fcW2, fcb2):
    nf_start = 3
    nf_end = nf_start + NODES * NODE_F
    node_features = flat_obs[:, nf_start:nf_end].reshape(-1, NODES, NODE_F)
    cf_start = nf_end
    cf_end = cf_start + COLORS * COLOR_F
    color_features = flat_obs[:, cf_start:cf_end].reshape(-1, COLORS, COLOR_F)
    exp_node = jnp.repeat(node_features[:, :, None, :], COLORS, axis=2)
    exp_color = jnp.repeat(color_features[:, None, :, :], NODES, axis=1)
    combined = jnp.concatenate([exp_node, exp_color], axis=3).reshape(-1, COMB)
    x = gcn_conv(combined, edge_index, W1, b1)
    x = jax.nn.relu(x)
    x = gcn_conv(x, edge_index, W2, b2)
    x = jax.nn.relu(x)
    x = jax.nn.relu(x @ fcW1 + fcb1)
    q = x @ fcW2 + fcb2
    batch_size = node_features.shape[0]
    return q.reshape(batch_size, NODES * COLORS)

if __name__ == "__main__":
    import jax
    _d = setup_inputs()
    print(jax.jit(kernel)(*tuple(_d.values())))

</pallas_src>

<mosaic_0001>
#map = affine_map<(d0, d1) -> (0, 0, 0)>
#map1 = affine_map<(d0, d1) -> (0)>
#map2 = affine_map<(d0, d1) -> (0, 0)>
module attributes {stable_mosaic.version = 14 : i64} {
  func.func @_sc_propagate(%arg0: i32, %arg1: i32, %arg2: memref<2x10000x64xf32, #tpu.memory_space<hbm>>, %arg3: memref<320000xi32, #tpu.memory_space<hbm>>, %arg4: memref<320000xi32, #tpu.memory_space<hbm>>, %arg5: memref<632x64xf32, #tpu.memory_space<hbm>>, %arg6: memref<20224x64xf32, #tpu.memory_space<hbm>>, %arg7: memref<128xi32, #tpu.memory_space<vmem>>, %arg8: memref<128xi32, #tpu.memory_space<vmem>>, %arg9: memref<32xi32, #tpu.memory_space<vmem>>, %arg10: memref<32xi32, #tpu.memory_space<vmem>>, %arg11: memref<128x64xf32, #tpu.memory_space<vmem>>, %arg12: memref<32x64xf32, #tpu.memory_space<vmem>>, %arg13: memref<632x64xf32, #tpu.memory_space<vmem>>, %arg14: memref<10112x64xf32, #tpu.memory_space<vmem_shared>>, %arg15: memref<!tpu.dma_semaphore, #tpu.memory_space<semaphore_mem>>) attributes {dimension_semantics = [#tpu.dimension_semantics<core_parallel>, #tpu.dimension_semantics<subcore_parallel>], iteration_bounds = array<i64: 2, 16>, scalar_prefetch = 0 : i64, scratch_operands = 9 : i64, tpu.core_type = #tpu.core_type<sc_vector_subcore>, window_params = [{transform_indices = #map}, {transform_indices = #map1}, {transform_indices = #map1}, {transform_indices = #map2}, {transform_indices = #map2}]} {
    "tpu.region"() ({
      %run_scoped3A = tpu.sem_alloc : memref<!tpu.dma_semaphore, #tpu.memory_space<semaphore_mem>>
      tpu.enqueue_dma source(%arg5 : memref<632x64xf32, #tpu.memory_space<hbm>>) target(%arg13 : memref<632x64xf32, #tpu.memory_space<vmem>>) target_semaphore(%run_scoped3A : memref<!tpu.dma_semaphore, #tpu.memory_space<semaphore_mem>>)
      tpu.wait_dma2 semaphore(%run_scoped3A : memref<!tpu.dma_semaphore, #tpu.memory_space<semaphore_mem>>) src(%arg5 : memref<632x64xf32, #tpu.memory_space<hbm>>) dst(%arg13 : memref<632x64xf32, #tpu.memory_space<vmem>>)
      tpu.yield
    }) : () -> ()
    %mul3A = arith.constant 632 : i32
    %mul3A_0 = arith.muli %arg1, %mul3A : i32
    "tpu.region"() ({
      %run_scoped3A = tpu.sem_alloc : memref<!tpu.dma_semaphore, #tpu.memory_space<semaphore_mem>>
      %dma_start3A_29 = arith.constant 0 : i32
      %dma_start3A_30 = tpu.memref_slice %arg14[%mul3A_0, %dma_start3A_29] : memref<10112x64xf32, #tpu.memory_space<vmem_shared>> -> memref<632x64xf32, #tpu.memory_space<vmem_shared>>
      %dma_start3A_31 = arith.constant 0 : i32
      %dma_start3A_32 = tpu.memref_slice %arg14[%mul3A_0, %dma_start3A_31] : memref<10112x64xf32, #tpu.memory_space<vmem_shared>> -> memref<632x64xf32, #tpu.memory_space<vmem_shared>>
      tpu.enqueue_dma source(%arg13 : memref<632x64xf32, #tpu.memory_space<vmem>>) target(%dma_start3A_32 : memref<632x64xf32, #tpu.memory_space<vmem_shared>>) target_semaphore(%run_scoped3A : memref<!tpu.dma_semaphore, #tpu.memory_space<semaphore_mem>>)
      %dma_wait3A_33 = arith.constant 0 : i32
      %dma_wait3A_34 = tpu.memref_slice %arg14[%mul3A_0, %dma_wait3A_33] : memref<10112x64xf32, #tpu.memory_space<vmem_shared>> -> memref<632x64xf32, #tpu.memory_space<vmem_shared>>
      %dma_wait3A_35 = arith.constant 0 : i32
      %dma_wait3A_36 = tpu.memref_slice %arg14[%mul3A_0, %dma_wait3A_35] : memref<10112x64xf32, #tpu.memory_space<vmem_shared>> -> memref<632x64xf32, #tpu.memory_space<vmem_shared>>
      tpu.wait_dma2 semaphore(%run_scoped3A : memref<!tpu.dma_semaphore, #tpu.memory_space<semaphore_mem>>) src(%arg13 : memref<632x64xf32, #tpu.memory_space<vmem>>) dst(%dma_wait3A_36 : memref<632x64xf32, #tpu.memory_space<vmem_shared>>)
      tpu.yield
    }) : () -> ()
    %barrier3A = arith.constant 0 : index
    tpu.barrier barrier_id(%barrier3A)
    %mul3A_1 = arith.constant 20000 : i32
    %mul3A_2 = arith.muli %arg1, %mul3A_1 : i32
    %scan3A = arith.constant 0 : i32
    %scan3A_3 = arith.constant 0 : i32
    %scan3A_4 = arith.constant 156 : i32
    %scan3A_5 = arith.addi %scan3A_3, %scan3A_4 : i32
    %scan3A_6 = arith.constant 1 : i32
    scf.for %scan3A_29 = %scan3A_3 to %scan3A_5 step %scan3A_6  : i32 {
      %mul3A_30 = arith.constant 128 : i32
      %mul3A_31 = arith.muli %scan3A_29, %mul3A_30 : i32
      %add3A_32 = arith.addi %mul3A_2, %mul3A_31 : i32
      "tpu.region"() ({
        %run_scoped3A = tpu.sem_alloc : memref<!tpu.dma_semaphore, #tpu.memory_space<semaphore_mem>>
        %dma_start3A_47 = tpu.memref_slice %arg3[%add3A_32] : memref<320000xi32, #tpu.memory_space<hbm>> -> memref<128xi32, #tpu.memory_space<hbm>>
        %dma_start3A_48 = tpu.memref_slice %arg3[%add3A_32] : memref<320000xi32, #tpu.memory_space<hbm>> -> memref<128xi32, #tpu.memory_space<hbm>>
        tpu.enqueue_dma source(%dma_start3A_48 : memref<128xi32, #tpu.memory_space<hbm>>) target(%arg7 : memref<128xi32, #tpu.memory_space<vmem>>) target_semaphore(%run_scoped3A : memref<!tpu.dma_semaphore, #tpu.memory_space<semaphore_mem>>)
        %dma_wait3A_49 = tpu.memref_slice %arg3[%add3A_32] : memref<320000xi32, #tpu.memory_space<hbm>> -> memref<128xi32, #tpu.memory_space<hbm>>
        %dma_wait3A_50 = tpu.memref_slice %arg3[%add3A_32] : memref<320000xi32, #tpu.memory_space<hbm>> -> memref<128xi32, #tpu.memory_space<hbm>>
        tpu.wait_dma2 semaphore(%run_scoped3A : memref<!tpu.dma_semaphore, #tpu.memory_space<semaphore_mem>>) src(%dma_wait3A_50 : memref<128xi32, #tpu.memory_space<hbm>>) dst(%arg7 : memref<128xi32, #tpu.memory_space<vmem>>)
        tpu.yield
      }) : () -> ()
      "tpu.region"() ({
        %run_scoped3A = tpu.sem_alloc : memref<!tpu.dma_semaphore, #tpu.memory_space<semaphore_mem>>
        %dma_start3A_47 = tpu.memref_slice %arg4[%add3A_32] : memref<320000xi32, #tpu.memory_space<hbm>> -> memref<128xi32, #tpu.memory_space<hbm>>
        %dma_start3A_48 = tpu.memref_slice %arg4[%add3A_32] : memref<320000xi32, #tpu.memory_space<hbm>> -> memref<128xi32, #tpu.memory_space<hbm>>
        tpu.enqueue_dma source(%dma_start3A_48 : memref<128xi32, #tpu.memory_space<hbm>>) target(%arg8 : memref<128xi32, #tpu.memory_space<vmem>>) target_semaphore(%run_scoped3A : memref<!tpu.dma_semaphore, #tpu.memory_space<semaphore_mem>>)
        %dma_wait3A_49 = tpu.memref_slice %arg4[%add3A_32] : memref<320000xi32, #tpu.memory_space<hbm>> -> memref<128xi32, #tpu.memory_space<hbm>>
        %dma_wait3A_50 = tpu.memref_slice %arg4[%add3A_32] : memref<320000xi32, #tpu.memory_space<hbm>> -> memref<128xi32, #tpu.memory_space<hbm>>
        tpu.wait_dma2 semaphore(%run_scoped3A : memref<!tpu.dma_semaphore, #tpu.memory_space<semaphore_mem>>) src(%dma_wait3A_50 : memref<128xi32, #tpu.memory_space<hbm>>) dst(%arg8 : memref<128xi32, #tpu.memory_space<vmem>>)
        tpu.yield
      }) : () -> ()
      %dma_start3A_33 = arith.constant 0 : i32
      %dma_start3A_34 = arith.constant 0 : i32
      %dma_start3A_35 = tpu.memref_slice %arg2[%arg0, %dma_start3A_33, %dma_start3A_34] : memref<2x10000x64xf32, #tpu.memory_space<hbm>> -> memref<1x10000x64xf32, #tpu.memory_space<hbm>>
      %dma_start3A_36 = tpu.memref_squeeze %dma_start3A_35 : memref<1x10000x64xf32, #tpu.memory_space<hbm>> -> memref<10000x64xf32, #tpu.memory_space<hbm>>
      %dma_start3A_37 = arith.constant 0 : i32
      %dma_start3A_38 = arith.constant 0 : i32
      %dma_start3A_39 = tpu.memref_slice %dma_start3A_36[%dma_start3A_37, %dma_start3A_38] : memref<10000x64xf32, #tpu.memory_space<hbm>> -> memref<10000x64xf32, #tpu.memory_space<hbm>>
      tpu.enqueue_indirect_dma source(%dma_start3A_39 : memref<10000x64xf32, #tpu.memory_space<hbm>>) target(%arg11 : memref<128x64xf32, #tpu.memory_space<vmem>>) offsets(%arg7 : memref<128xi32, #tpu.memory_space<vmem>>) semaphore(%arg15 : memref<!tpu.dma_semaphore, #tpu.memory_space<semaphore_mem>>)
      %dma_wait3A_40 = arith.constant 0 : i32
      %dma_wait3A_41 = arith.constant 0 : i32
      %dma_wait3A_42 = tpu.memref_slice %arg2[%arg0, %dma_wait3A_40, %dma_wait3A_41] : memref<2x10000x64xf32, #tpu.memory_space<hbm>> -> memref<1x10000x64xf32, #tpu.memory_space<hbm>>
      %dma_wait3A_43 = tpu.memref_squeeze %dma_wait3A_42 : memref<1x10000x64xf32, #tpu.memory_space<hbm>> -> memref<10000x64xf32, #tpu.memory_space<hbm>>
      %dma_wait3A_44 = arith.constant 0 : i32
      %dma_wait3A_45 = arith.constant 0 : i32
      %dma_wait3A_46 = tpu.memref_slice %dma_wait3A_43[%dma_wait3A_44, %dma_wait3A_45] : memref<10000x64xf32, #tpu.memory_space<hbm>> -> memref<10000x64xf32, #tpu.memory_space<hbm>>
      tpu.wait_indirect_dma semaphore(%arg15 : memref<!tpu.dma_semaphore, #tpu.memory_space<semaphore_mem>>) src(%dma_wait3A_46 : memref<10000x64xf32, #tpu.memory_space<hbm>>) dst(%arg11 : memref<128x64xf32, #tpu.memory_space<vmem>>)
      "tpu.region"() ({
        %run_scoped3A = tpu.sem_alloc : memref<!tpu.dma_semaphore, #tpu.memory_space<semaphore_mem>>
        %dma_start3A_47 = arith.constant 0 : i32
        %dma_start3A_48 = arith.constant 0 : i32
        %dma_start3A_49 = tpu.memref_slice %arg14[%dma_start3A_47, %dma_start3A_48] : memref<10112x64xf32, #tpu.memory_space<vmem_shared>> -> memref<10112x64xf32, #tpu.memory_space<vmem_shared>>
        tpu.enqueue_indirect_dma source(%arg11 : memref<128x64xf32, #tpu.memory_space<vmem>>) target(%dma_start3A_49 : memref<10112x64xf32, #tpu.memory_space<vmem_shared>>) offsets(%arg8 : memref<128xi32, #tpu.memory_space<vmem>>) semaphore(%run_scoped3A : memref<!tpu.dma_semaphore, #tpu.memory_space<semaphore_mem>>) {add = true}
        %dma_wait3A_50 = arith.constant 0 : i32
        %dma_wait3A_51 = arith.constant 0 : i32
        %dma_wait3A_52 = tpu.memref_slice %arg14[%dma_wait3A_50, %dma_wait3A_51] : memref<10112x64xf32, #tpu.memory_space<vmem_shared>> -> memref<10112x64xf32, #tpu.memory_space<vmem_shared>>
        tpu.wait_indirect_dma semaphore(%run_scoped3A : memref<!tpu.dma_semaphore, #tpu.memory_space<semaphore_mem>>) src(%arg11 : memref<128x64xf32, #tpu.memory_space<vmem>>) dst(%dma_wait3A_52 : memref<10112x64xf32, #tpu.memory_space<vmem_shared>>)
        tpu.yield
      }) : () -> ()
    }
    %scan3A_7 = arith.constant 156 : i32
    %add3A = arith.constant 19968 : i32
    %add3A_8 = arith.addi %mul3A_2, %add3A : i32
    "tpu.region"() ({
      %run_scoped3A = tpu.sem_alloc : memref<!tpu.dma_semaphore, #tpu.memory_space<semaphore_mem>>
      %dma_start3A_29 = tpu.memref_slice %arg3[%add3A_8] : memref<320000xi32, #tpu.memory_space<hbm>> -> memref<32xi32, #tpu.memory_space<hbm>>
      %dma_start3A_30 = tpu.memref_slice %arg3[%add3A_8] : memref<320000xi32, #tpu.memory_space<hbm>> -> memref<32xi32, #tpu.memory_space<hbm>>
      tpu.enqueue_dma source(%dma_start3A_30 : memref<32xi32, #tpu.memory_space<hbm>>) target(%arg9 : memref<32xi32, #tpu.memory_space<vmem>>) target_semaphore(%run_scoped3A : memref<!tpu.dma_semaphore, #tpu.memory_space<semaphore_mem>>)
      %dma_wait3A_31 = tpu.memref_slice %arg3[%add3A_8] : memref<320000xi32, #tpu.memory_space<hbm>> -> memref<32xi32, #tpu.memory_space<hbm>>
      %dma_wait3A_32 = tpu.memref_slice %arg3[%add3A_8] : memref<320000xi32, #tpu.memory_space<hbm>> -> memref<32xi32, #tpu.memory_space<hbm>>
      tpu.wait_dma2 semaphore(%run_scoped3A : memref<!tpu.dma_semaphore, #tpu.memory_space<semaphore_mem>>) src(%dma_wait3A_32 : memref<32xi32, #tpu.memory_space<hbm>>) dst(%arg9 : memref<32xi32, #tpu.memory_space<vmem>>)
      tpu.yield
    }) : () -> ()
    "tpu.region"() ({
      %run_scoped3A = tpu.sem_alloc : memref<!tpu.dma_semaphore, #tpu.memory_space<semaphore_mem>>
      %dma_start3A_29 = tpu.memref_slice %arg4[%add3A_8] : memref<320000xi32, #tpu.memory_space<hbm>> -> memref<32xi32, #tpu.memory_space<hbm>>
      %dma_start3A_30 = tpu.memref_slice %arg4[%add3A_8] : memref<320000xi32, #tpu.memory_space<hbm>> -> memref<32xi32, #tpu.memory_space<hbm>>
      tpu.enqueue_dma source(%dma_start3A_30 : memref<32xi32, #tpu.memory_space<hbm>>) target(%arg10 : memref<32xi32, #tpu.memory_space<vmem>>) target_semaphore(%run_scoped3A : memref<!tpu.dma_semaphore, #tpu.memory_space<semaphore_mem>>)
      %dma_wait3A_31 = tpu.memref_slice %arg4[%add3A_8] : memref<320000xi32, #tpu.memory_space<hbm>> -> memref<32xi32, #tpu.memory_space<hbm>>
      %dma_wait3A_32 = tpu.memref_slice %arg4[%add3A_8] : memref<320000xi32, #tpu.memory_space<hbm>> -> memref<32xi32, #tpu.memory_space<hbm>>
      tpu.wait_dma2 semaphore(%run_scoped3A : memref<!tpu.dma_semaphore, #tpu.memory_space<semaphore_mem>>) src(%dma_wait3A_32 : memref<32xi32, #tpu.memory_space<hbm>>) dst(%arg10 : memref<32xi32, #tpu.memory_space<vmem>>)
      tpu.yield
    }) : () -> ()
    %dma_start3A = arith.constant 0 : i32
    %dma_start3A_9 = arith.constant 0 : i32
    %dma_start3A_10 = tpu.memref_slice %arg2[%arg0, %dma_start3A, %dma_start3A_9] : memref<2x10000x64xf32, #tpu.memory_space<hbm>> -> memref<1x10000x64xf32, #tpu.memory_space<hbm>>
    %dma_start3A_11 = tpu.memref_squeeze %dma_start3A_10 : memref<1x10000x64xf32, #tpu.memory_space<hbm>> -> memref<10000x64xf32, #tpu.memory_space<hbm>>
    %dma_start3A_12 = arith.constant 0 : i32
    %dma_start3A_13 = arith.constant 0 : i32
    %dma_start3A_14 = tpu.memref_slice %dma_start3A_11[%dma_start3A_12, %dma_start3A_13] : memref<10000x64xf32, #tpu.memory_space<hbm>> -> memref<10000x64xf32, #tpu.memory_space<hbm>>
    tpu.enqueue_indirect_dma source(%dma_start3A_14 : memref<10000x64xf32, #tpu.memory_space<hbm>>) target(%arg12 : memref<32x64xf32, #tpu.memory_space<vmem>>) offsets(%arg9 : memref<32xi32, #tpu.memory_space<vmem>>) semaphore(%arg15 : memref<!tpu.dma_semaphore, #tpu.memory_space<semaphore_mem>>)
    %dma_wait3A = arith.constant 0 : i32
    %dma_wait3A_15 = arith.constant 0 : i32
    %dma_wait3A_16 = tpu.memref_slice %arg2[%arg0, %dma_wait3A, %dma_wait3A_15] : memref<2x10000x64xf32, #tpu.memory_space<hbm>> -> memref<1x10000x64xf32, #tpu.memory_space<hbm>>
    %dma_wait3A_17 = tpu.memref_squeeze %dma_wait3A_16 : memref<1x10000x64xf32, #tpu.memory_space<hbm>> -> memref<10000x64xf32, #tpu.memory_space<hbm>>
    %dma_wait3A_18 = arith.constant 0 : i32
    %dma_wait3A_19 = arith.constant 0 : i32
    %dma_wait3A_20 = tpu.memref_slice %dma_wait3A_17[%dma_wait3A_18, %dma_wait3A_19] : memref<10000x64xf32, #tpu.memory_space<hbm>> -> memref<10000x64xf32, #tpu.memory_space<hbm>>
    tpu.wait_indirect_dma semaphore(%arg15 : memref<!tpu.dma_semaphore, #tpu.memory_space<semaphore_mem>>) src(%dma_wait3A_20 : memref<10000x64xf32, #tpu.memory_space<hbm>>) dst(%arg12 : memref<32x64xf32, #tpu.memory_space<vmem>>)
    "tpu.region"() ({
      %run_scoped3A = tpu.sem_alloc : memref<!tpu.dma_semaphore, #tpu.memory_space<semaphore_mem>>
      %dma_start3A_29 = arith.constant 0 : i32
      %dma_start3A_30 = arith.constant 0 : i32
      %dma_start3A_31 = tpu.memref_slice %arg14[%dma_start3A_29, %dma_start3A_30] : memref<10112x64xf32, #tpu.memory_space<vmem_shared>> -> memref<10112x64xf32, #tpu.memory_space<vmem_shared>>
      tpu.enqueue_indirect_dma source(%arg12 : memref<32x64xf32, #tpu.memory_space<vmem>>) target(%dma_start3A_31 : memref<10112x64xf32, #tpu.memory_space<vmem_shared>>) offsets(%arg10 : memref<32xi32, #tpu.memory_space<vmem>>) semaphore(%run_scoped3A : memref<!tpu.dma_semaphore, #tpu.memory_space<semaphore_mem>>) {add = true}
      %dma_wait3A_32 = arith.constant 0 : i32
      %dma_wait3A_33 = arith.constant 0 : i32
      %dma_wait3A_34 = tpu.memref_slice %arg14[%dma_wait3A_32, %dma_wait3A_33] : memref<10112x64xf32, #tpu.memory_space<vmem_shared>> -> memref<10112x64xf32, #tpu.memory_space<vmem_shared>>
      tpu.wait_indirect_dma semaphore(%run_scoped3A : memref<!tpu.dma_semaphore, #tpu.memory_space<semaphore_mem>>) src(%arg12 : memref<32x64xf32, #tpu.memory_space<vmem>>) dst(%dma_wait3A_34 : memref<10112x64xf32, #tpu.memory_space<vmem_shared>>)
      tpu.yield
    }) : () -> ()
    %barrier3A_21 = arith.constant 0 : index
    tpu.barrier barrier_id(%barrier3A_21)
    %mul3A_22 = arith.constant 632 : i32
    %mul3A_23 = arith.muli %arg1, %mul3A_22 : i32
    "tpu.region"() ({
      %run_scoped3A = tpu.sem_alloc : memref<!tpu.dma_semaphore, #tpu.memory_space<semaphore_mem>>
      %dma_start3A_29 = arith.constant 0 : i32
      %dma_start3A_30 = tpu.memref_slice %arg14[%mul3A_23, %dma_start3A_29] : memref<10112x64xf32, #tpu.memory_space<vmem_shared>> -> memref<632x64xf32, #tpu.memory_space<vmem_shared>>
      %dma_start3A_31 = arith.constant 0 : i32
      %dma_start3A_32 = tpu.memref_slice %arg14[%mul3A_23, %dma_start3A_31] : memref<10112x64xf32, #tpu.memory_space<vmem_shared>> -> memref<632x64xf32, #tpu.memory_space<vmem_shared>>
      tpu.enqueue_dma source(%dma_start3A_32 : memref<632x64xf32, #tpu.memory_space<vmem_shared>>) target(%arg13 : memref<632x64xf32, #tpu.memory_space<vmem>>) target_semaphore(%run_scoped3A : memref<!tpu.dma_semaphore, #tpu.memory_space<semaphore_mem>>)
      %dma_wait3A_33 = arith.constant 0 : i32
      %dma_wait3A_34 = tpu.memref_slice %arg14[%mul3A_23, %dma_wait3A_33] : memref<10112x64xf32, #tpu.memory_space<vmem_shared>> -> memref<632x64xf32, #tpu.memory_space<vmem_shared>>
      %dma_wait3A_35 = arith.constant 0 : i32
      %dma_wait3A_36 = tpu.memref_slice %arg14[%mul3A_23, %dma_wait3A_35] : memref<10112x64xf32, #tpu.memory_space<vmem_shared>> -> memref<632x64xf32, #tpu.memory_space<vmem_shared>>
      tpu.wait_dma2 semaphore(%run_scoped3A : memref<!tpu.dma_semaphore, #tpu.memory_space<semaphore_mem>>) src(%dma_wait3A_36 : memref<632x64xf32, #tpu.memory_space<vmem_shared>>) dst(%arg13 : memref<632x64xf32, #tpu.memory_space<vmem>>)
      tpu.yield
    }) : () -> ()
    %mul3A_24 = arith.constant 10112 : i32
    %mul3A_25 = arith.muli %arg0, %mul3A_24 : i32
    %mul3A_26 = arith.constant 632 : i32
    %mul3A_27 = arith.muli %arg1, %mul3A_26 : i32
    %add3A_28 = arith.addi %mul3A_25, %mul3A_27 : i32
    "tpu.region"() ({
      %run_scoped3A = tpu.sem_alloc : memref<!tpu.dma_semaphore, #tpu.memory_space<semaphore_mem>>
      %dma_start3A_29 = arith.constant 0 : i32
      %dma_start3A_30 = tpu.memref_slice %arg6[%add3A_28, %dma_start3A_29] : memref<20224x64xf32, #tpu.memory_space<hbm>> -> memref<632x64xf32, #tpu.memory_space<hbm>>
      %dma_start3A_31 = arith.constant 0 : i32
      %dma_start3A_32 = tpu.memref_slice %arg6[%add3A_28, %dma_start3A_31] : memref<20224x64xf32, #tpu.memory_space<hbm>> -> memref<632x64xf32, #tpu.memory_space<hbm>>
      tpu.enqueue_dma source(%arg13 : memref<632x64xf32, #tpu.memory_space<vmem>>) target(%dma_start3A_32 : memref<632x64xf32, #tpu.memory_space<hbm>>) target_semaphore(%run_scoped3A : memref<!tpu.dma_semaphore, #tpu.memory_space<semaphore_mem>>)
      %dma_wait3A_33 = arith.constant 0 : i32
      %dma_wait3A_34 = tpu.memref_slice %arg6[%add3A_28, %dma_wait3A_33] : memref<20224x64xf32, #tpu.memory_space<hbm>> -> memref<632x64xf32, #tpu.memory_space<hbm>>
      %dma_wait3A_35 = arith.constant 0 : i32
      %dma_wait3A_36 = tpu.memref_slice %arg6[%add3A_28, %dma_wait3A_35] : memref<20224x64xf32, #tpu.memory_space<hbm>> -> memref<632x64xf32, #tpu.memory_space<hbm>>
      tpu.wait_dma2 semaphore(%run_scoped3A : memref<!tpu.dma_semaphore, #tpu.memory_space<semaphore_mem>>) src(%arg13 : memref<632x64xf32, #tpu.memory_space<vmem>>) dst(%dma_wait3A_36 : memref<632x64xf32, #tpu.memory_space<hbm>>)
      tpu.yield
    }) : () -> ()
    return
  }
}

#map = affine_map<(d0, d1) -> (0, 0, 0)>
#map1 = affine_map<(d0, d1) -> (0)>
#map2 = affine_map<(d0, d1) -> (0, 0)>
module attributes {stable_mosaic.version = 14 : i64} {
  func.func @_sc_propagate(%arg0: i32, %arg1: i32, %arg2: memref<2x10000x64xf32, #tpu.memory_space<hbm>>, %arg3: memref<320000xi32, #tpu.memory_space<hbm>>, %arg4: memref<320000xi32, #tpu.memory_space<hbm>>, %arg5: memref<632x64xf32, #tpu.memory_space<hbm>>, %arg6: memref<20224x64xf32, #tpu.memory_space<hbm>>, %arg7: memref<128xi32, #tpu.memory_space<vmem>>, %arg8: memref<128xi32, #tpu.memory_space<vmem>>, %arg9: memref<32xi32, #tpu.memory_space<vmem>>, %arg10: memref<32xi32, #tpu.memory_space<vmem>>, %arg11: memref<128x64xf32, #tpu.memory_space<vmem>>, %arg12: memref<32x64xf32, #tpu.memory_space<vmem>>, %arg13: memref<632x64xf32, #tpu.memory_space<vmem>>, %arg14: memref<10112x64xf32, #tpu.memory_space<vmem_shared>>, %arg15: memref<!tpu.dma_semaphore, #tpu.memory_space<semaphore_mem>>) attributes {dimension_semantics = [#tpu.dimension_semantics<core_parallel>, #tpu.dimension_semantics<subcore_parallel>], iteration_bounds = array<i64: 2, 16>, scalar_prefetch = 0 : i64, scratch_operands = 9 : i64, tpu.core_type = #tpu.core_type<sc_vector_subcore>, window_params = [{transform_indices = #map}, {transform_indices = #map1}, {transform_indices = #map1}, {transform_indices = #map2}, {transform_indices = #map2}]} {
    "tpu.region"() ({
      %run_scoped3A = tpu.sem_alloc : memref<!tpu.dma_semaphore, #tpu.memory_space<semaphore_mem>>
      tpu.enqueue_dma source(%arg5 : memref<632x64xf32, #tpu.memory_space<hbm>>) target(%arg13 : memref<632x64xf32, #tpu.memory_space<vmem>>) target_semaphore(%run_scoped3A : memref<!tpu.dma_semaphore, #tpu.memory_space<semaphore_mem>>)
      tpu.wait_dma2 semaphore(%run_scoped3A : memref<!tpu.dma_semaphore, #tpu.memory_space<semaphore_mem>>) src(%arg5 : memref<632x64xf32, #tpu.memory_space<hbm>>) dst(%arg13 : memref<632x64xf32, #tpu.memory_space<vmem>>)
      tpu.yield
    }) : () -> ()
    %mul3A = arith.constant 632 : i32
    %mul3A_0 = arith.muli %arg1, %mul3A : i32
    "tpu.region"() ({
      %run_scoped3A = tpu.sem_alloc : memref<!tpu.dma_semaphore, #tpu.memory_space<semaphore_mem>>
      %dma_start3A_29 = arith.constant 0 : i32
      %dma_start3A_30 = tpu.memref_slice %arg14[%mul3A_0, %dma_start3A_29] : memref<10112x64xf32, #tpu.memory_space<vmem_shared>> -> memref<632x64xf32, #tpu.memory_space<vmem_shared>>
      %dma_start3A_31 = arith.constant 0 : i32
      %dma_start3A_32 = tpu.memref_slice %arg14[%mul3A_0, %dma_start3A_31] : memref<10112x64xf32, #tpu.memory_space<vmem_shared>> -> memref<632x64xf32, #tpu.memory_space<vmem_shared>>
      tpu.enqueue_dma source(%arg13 : memref<632x64xf32, #tpu.memory_space<vmem>>) target(%dma_start3A_32 : memref<632x64xf32, #tpu.memory_space<vmem_shared>>) target_semaphore(%run_scoped3A : memref<!tpu.dma_semaphore, #tpu.memory_space<semaphore_mem>>)
      %dma_wait3A_33 = arith.constant 0 : i32
      %dma_wait3A_34 = tpu.memref_slice %arg14[%mul3A_0, %dma_wait3A_33] : memref<10112x64xf32, #tpu.memory_space<vmem_shared>> -> memref<632x64xf32, #tpu.memory_space<vmem_shared>>
      %dma_wait3A_35 = arith.constant 0 : i32
      %dma_wait3A_36 = tpu.memref_slice %arg14[%mul3A_0, %dma_wait3A_35] : memref<10112x64xf32, #tpu.memory_space<vmem_shared>> -> memref<632x64xf32, #tpu.memory_space<vmem_shared>>
      tpu.wait_dma2 semaphore(%run_scoped3A : memref<!tpu.dma_semaphore, #tpu.memory_space<semaphore_mem>>) src(%arg13 : memref<632x64xf32, #tpu.memory_space<vmem>>) dst(%dma_wait3A_36 : memref<632x64xf32, #tpu.memory_space<vmem_shared>>)
      tpu.yield
    }) : () -> ()
    %barrier3A = arith.constant 0 : index
    tpu.barrier barrier_id(%barrier3A)
    %mul3A_1 = arith.constant 20000 : i32
    %mul3A_2 = arith.muli %arg1, %mul3A_1 : i32
    %scan3A = arith.constant 0 : i32
    %scan3A_3 = arith.constant 0 : i32
    %scan3A_4 = arith.constant 156 : i32
    %scan3A_5 = arith.addi %scan3A_3, %scan3A_4 : i32
    %scan3A_6 = arith.constant 1 : i32
    scf.for %scan3A_29 = %scan3A_3 to %scan3A_5 step %scan3A_6  : i32 {
      %mul3A_30 = arith.constant 128 : i32
      %mul3A_31 = arith.muli %scan3A_29, %mul3A_30 : i32
      %add3A_32 = arith.addi %mul3A_2, %mul3A_31 : i32
      "tpu.region"() ({
        %run_scoped3A = tpu.sem_alloc : memref<!tpu.dma_semaphore, #tpu.memory_space<semaphore_mem>>
        %dma_start3A_47 = tpu.memref_slice %arg3[%add3A_32] : memref<320000xi32, #tpu.memory_space<hbm>> -> memref<128xi32, #tpu.memory_space<hbm>>
        %dma_start3A_48 = tpu.memref_slice %arg3[%add3A_32] : memref<320000xi32, #tpu.memory_space<hbm>> -> memref<128xi32, #tpu.memory_space<hbm>>
        tpu.enqueue_dma source(%dma_start3A_48 : memref<128xi32, #tpu.memory_space<hbm>>) target(%arg7 : memref<128xi32, #tpu.memory_space<vmem>>) target_semaphore(%run_scoped3A : memref<!tpu.dma_semaphore, #tpu.memory_space<semaphore_mem>>)
        %dma_wait3A_49 = tpu.memref_slice %arg3[%add3A_32] : memref<320000xi32, #tpu.memory_space<hbm>> -> memref<128xi32, #tpu.memory_space<hbm>>
        %dma_wait3A_50 = tpu.memref_slice %arg3[%add3A_32] : memref<320000xi32, #tpu.memory_space<hbm>> -> memref<128xi32, #tpu.memory_space<hbm>>
        tpu.wait_dma2 semaphore(%run_scoped3A : memref<!tpu.dma_semaphore, #tpu.memory_space<semaphore_mem>>) src(%dma_wait3A_50 : memref<128xi32, #tpu.memory_space<hbm>>) dst(%arg7 : memref<128xi32, #tpu.memory_space<vmem>>)
        tpu.yield
      }) : () -> ()
      "tpu.region"() ({
        %run_scoped3A = tpu.sem_alloc : memref<!tpu.dma_semaphore, #tpu.memory_space<semaphore_mem>>
        %dma_start3A_47 = tpu.memref_slice %arg4[%add3A_32] : memref<320000xi32, #tpu.memory_space<hbm>> -> memref<128xi32, #tpu.memory_space<hbm>>
        %dma_start3A_48 = tpu.memref_slice %arg4[%add3A_32] : memref<320000xi32, #tpu.memory_space<hbm>> -> memref<128xi32, #tpu.memory_space<hbm>>
        tpu.enqueue_dma source(%dma_start3A_48 : memref<128xi32, #tpu.memory_space<hbm>>) target(%arg8 : memref<128xi32, #tpu.memory_space<vmem>>) target_semaphore(%run_scoped3A : memref<!tpu.dma_semaphore, #tpu.memory_space<semaphore_mem>>)
        %dma_wait3A_49 = tpu.memref_slice %arg4[%add3A_32] : memref<320000xi32, #tpu.memory_space<hbm>> -> memref<128xi32, #tpu.memory_space<hbm>>
        %dma_wait3A_50 = tpu.memref_slice %arg4[%add3A_32] : memref<320000xi32, #tpu.memory_space<hbm>> -> memref<128xi32, #tpu.memory_space<hbm>>
        tpu.wait_dma2 semaphore(%run_scoped3A : memref<!tpu.dma_semaphore, #tpu.memory_space<semaphore_mem>>) src(%dma_wait3A_50 : memref<128xi32, #tpu.memory_space<hbm>>) dst(%arg8 : memref<128xi32, #tpu.memory_space<vmem>>)
        tpu.yield
      }) : () -> ()
      %dma_start3A_33 = arith.constant 0 : i32
      %dma_start3A_34 = arith.constant 0 : i32
      %dma_start3A_35 = tpu.memref_slice %arg2[%arg0, %dma_start3A_33, %dma_start3A_34] : memref<2x10000x64xf32, #tpu.memory_space<hbm>> -> memref<1x10000x64xf32, #tpu.memory_space<hbm>>
      %dma_start3A_36 = tpu.memref_squeeze %dma_start3A_35 : memref<1x10000x64xf32, #tpu.memory_space<hbm>> -> memref<10000x64xf32, #tpu.memory_space<hbm>>
      %dma_start3A_37 = arith.constant 0 : i32
      %dma_start3A_38 = arith.constant 0 : i32
      %dma_start3A_39 = tpu.memref_slice %dma_start3A_36[%dma_start3A_37, %dma_start3A_38] : memref<10000x64xf32, #tpu.memory_space<hbm>> -> memref<10000x64xf32, #tpu.memory_space<hbm>>
      tpu.enqueue_indirect_dma source(%dma_start3A_39 : memref<10000x64xf32, #tpu.memory_space<hbm>>) target(%arg11 : memref<128x64xf32, #tpu.memory_space<vmem>>) offsets(%arg7 : memref<128xi32, #tpu.memory_space<vmem>>) semaphore(%arg15 : memref<!tpu.dma_semaphore, #tpu.memory_space<semaphore_mem>>)
      %dma_wait3A_40 = arith.constant 0 : i32
      %dma_wait3A_41 = arith.constant 0 : i32
      %dma_wait3A_42 = tpu.memref_slice %arg2[%arg0, %dma_wait3A_40, %dma_wait3A_41] : memref<2x10000x64xf32, #tpu.memory_space<hbm>> -> memref<1x10000x64xf32, #tpu.memory_space<hbm>>
      %dma_wait3A_43 = tpu.memref_squeeze %dma_wait3A_42 : memref<1x10000x64xf32, #tpu.memory_space<hbm>> -> memref<10000x64xf32, #tpu.memory_space<hbm>>
      %dma_wait3A_44 = arith.constant 0 : i32
      %dma_wait3A_45 = arith.constant 0 : i32
      %dma_wait3A_46 = tpu.memref_slice %dma_wait3A_43[%dma_wait3A_44, %dma_wait3A_45] : memref<10000x64xf32, #tpu.memory_space<hbm>> -> memref<10000x64xf32, #tpu.memory_space<hbm>>
      tpu.wait_indirect_dma semaphore(%arg15 : memref<!tpu.dma_semaphore, #tpu.memory_space<semaphore_mem>>) src(%dma_wait3A_46 : memref<10000x64xf32, #tpu.memory_space<hbm>>) dst(%arg11 : memref<128x64xf32, #tpu.memory_space<vmem>>)
      "tpu.region"() ({
        %run_scoped3A = tpu.sem_alloc : memref<!tpu.dma_semaphore, #tpu.memory_space<semaphore_mem>>
        %dma_start3A_47 = arith.constant 0 : i32
        %dma_start3A_48 = arith.constant 0 : i32
        %dma_start3A_49 = tpu.memref_slice %arg14[%dma_start3A_47, %dma_start3A_48] : memref<10112x64xf32, #tpu.memory_space<vmem_shared>> -> memref<10112x64xf32, #tpu.memory_space<vmem_shared>>
        tpu.enqueue_indirect_dma source(%arg11 : memref<128x64xf32, #tpu.memory_space<vmem>>) target(%dma_start3A_49 : memref<10112x64xf32, #tpu.memory_space<vmem_shared>>) offsets(%arg8 : memref<128xi32, #tpu.memory_space<vmem>>) semaphore(%run_scoped3A : memref<!tpu.dma_semaphore, #tpu.memory_space<semaphore_mem>>) {add = true}
        %dma_wait3A_50 = arith.constant 0 : i32
        %dma_wait3A_51 = arith.constant 0 : i32
        %dma_wait3A_52 = tpu.memref_slice %arg14[%dma_wait3A_50, %dma_wait3A_51] : memref<10112x64xf32, #tpu.memory_space<vmem_shared>> -> memref<10112x64xf32, #tpu.memory_space<vmem_shared>>
        tpu.wait_indirect_dma semaphore(%run_scoped3A : memref<!tpu.dma_semaphore, #tpu.memory_space<semaphore_mem>>) src(%arg11 : memref<128x64xf32, #tpu.memory_space<vmem>>) dst(%dma_wait3A_52 : memref<10112x64xf32, #tpu.memory_space<vmem_shared>>)
        tpu.yield
      }) : () -> ()
    }
    %scan3A_7 = arith.constant 156 : i32
    %add3A = arith.constant 19968 : i32
    %add3A_8 = arith.addi %mul3A_2, %add3A : i32
    "tpu.region"() ({
      %run_scoped3A = tpu.sem_alloc : memref<!tpu.dma_semaphore, #tpu.memory_space<semaphore_mem>>
      %dma_start3A_29 = tpu.memref_slice %arg3[%add3A_8] : memref<320000xi32, #tpu.memory_space<hbm>> -> memref<32xi32, #tpu.memory_space<hbm>>
      %dma_start3A_30 = tpu.memref_slice %arg3[%add3A_8] : memref<320000xi32, #tpu.memory_space<hbm>> -> memref<32xi32, #tpu.memory_space<hbm>>
      tpu.enqueue_dma source(%dma_start3A_30 : memref<32xi32, #tpu.memory_space<hbm>>) target(%arg9 : memref<32xi32, #tpu.memory_space<vmem>>) target_semaphore(%run_scoped3A : memref<!tpu.dma_semaphore, #tpu.memory_space<semaphore_mem>>)
      %dma_wait3A_31 = tpu.memref_slice %arg3[%add3A_8] : memref<320000xi32, #tpu.memory_space<hbm>> -> memref<32xi32, #tpu.memory_space<hbm>>
      %dma_wait3A_32 = tpu.memref_slice %arg3[%add3A_8] : memref<320000xi32, #tpu.memory_space<hbm>> -> memref<32xi32, #tpu.memory_space<hbm>>
      tpu.wait_dma2 semaphore(%run_scoped3A : memref<!tpu.dma_semaphore, #tpu.memory_space<semaphore_mem>>) src(%dma_wait3A_32 : memref<32xi32, #tpu.memory_space<hbm>>) dst(%arg9 : memref<32xi32, #tpu.memory_space<vmem>>)
      tpu.yield
    }) : () -> ()
    "tpu.region"() ({
      %run_scoped3A = tpu.sem_alloc : memref<!tpu.dma_semaphore, #tpu.memory_space<semaphore_mem>>
      %dma_start3A_29 = tpu.memref_slice %arg4[%add3A_8] : memref<320000xi32, #tpu.memory_space<hbm>> -> memref<32xi32, #tpu.memory_space<hbm>>
      %dma_start3A_30 = tpu.memref_slice %arg4[%add3A_8] : memref<320000xi32, #tpu.memory_space<hbm>> -> memref<32xi32, #tpu.memory_space<hbm>>
      tpu.enqueue_dma source(%dma_start3A_30 : memref<32xi32, #tpu.memory_space<hbm>>) target(%arg10 : memref<32xi32, #tpu.memory_space<vmem>>) target_semaphore(%run_scoped3A : memref<!tpu.dma_semaphore, #tpu.memory_space<semaphore_mem>>)
      %dma_wait3A_31 = tpu.memref_slice %arg4[%add3A_8] : memref<320000xi32, #tpu.memory_space<hbm>> -> memref<32xi32, #tpu.memory_space<hbm>>
      %dma_wait3A_32 = tpu.memref_slice %arg4[%add3A_8] : memref<320000xi32, #tpu.memory_space<hbm>> -> memref<32xi32, #tpu.memory_space<hbm>>
      tpu.wait_dma2 semaphore(%run_scoped3A : memref<!tpu.dma_semaphore, #tpu.memory_space<semaphore_mem>>) src(%dma_wait3A_32 : memref<32xi32, #tpu.memory_space<hbm>>) dst(%arg10 : memref<32xi32, #tpu.memory_space<vmem>>)
      tpu.yield
    }) : () -> ()
    %dma_start3A = arith.constant 0 : i32
    %dma_start3A_9 = arith.constant 0 : i32
    %dma_start3A_10 = tpu.memref_slice %arg2[%arg0, %dma_start3A, %dma_start3A_9] : memref<2x10000x64xf32, #tpu.memory_space<hbm>> -> memref<1x10000x64xf32, #tpu.memory_space<hbm>>
    %dma_start3A_11 = tpu.memref_squeeze %dma_start3A_10 : memref<1x10000x64xf32, #tpu.memory_space<hbm>> -> memref<10000x64xf32, #tpu.memory_space<hbm>>
    %dma_start3A_12 = arith.constant 0 : i32
    %dma_start3A_13 = arith.constant 0 : i32
    %dma_start3A_14 = tpu.memref_slice %dma_start3A_11[%dma_start3A_12, %dma_start3A_13] : memref<10000x64xf32, #tpu.memory_space<hbm>> -> memref<10000x64xf32, #tpu.memory_space<hbm>>
    tpu.enqueue_indirect_dma source(%dma_start3A_14 : memref<10000x64xf32, #tpu.memory_space<hbm>>) target(%arg12 : memref<32x64xf32, #tpu.memory_space<vmem>>) offsets(%arg9 : memref<32xi32, #tpu.memory_space<vmem>>) semaphore(%arg15 : memref<!tpu.dma_semaphore, #tpu.memory_space<semaphore_mem>>)
    %dma_wait3A = arith.constant 0 : i32
    %dma_wait3A_15 = arith.constant 0 : i32
    %dma_wait3A_16 = tpu.memref_slice %arg2[%arg0, %dma_wait3A, %dma_wait3A_15] : memref<2x10000x64xf32, #tpu.memory_space<hbm>> -> memref<1x10000x64xf32, #tpu.memory_space<hbm>>
    %dma_wait3A_17 = tpu.memref_squeeze %dma_wait3A_16 : memref<1x10000x64xf32, #tpu.memory_space<hbm>> -> memref<10000x64xf32, #tpu.memory_space<hbm>>
    %dma_wait3A_18 = arith.constant 0 : i32
    %dma_wait3A_19 = arith.constant 0 : i32
    %dma_wait3A_20 = tpu.memref_slice %dma_wait3A_17[%dma_wait3A_18, %dma_wait3A_19] : memref<10000x64xf32, #tpu.memory_space<hbm>> -> memref<10000x64xf32, #tpu.memory_space<hbm>>
    tpu.wait_indirect_dma semaphore(%arg15 : memref<!tpu.dma_semaphore, #tpu.memory_space<semaphore_mem>>) src(%dma_wait3A_20 : memref<10000x64xf32, #tpu.memory_space<hbm>>) dst(%arg12 : memref<32x64xf32, #tpu.memory_space<vmem>>)
    "tpu.region"() ({
      %run_scoped3A = tpu.sem_alloc : memref<!tpu.dma_semaphore, #tpu.memory_space<semaphore_mem>>
      %dma_start3A_29 = arith.constant 0 : i32
      %dma_start3A_30 = arith.constant 0 : i32
      %dma_start3A_31 = tpu.memref_slice %arg14[%dma_start3A_29, %dma_start3A_30] : memref<10112x64xf32, #tpu.memory_space<vmem_shared>> -> memref<10112x64xf32, #tpu.memory_space<vmem_shared>>
      tpu.enqueue_indirect_dma source(%arg12 : memref<32x64xf32, #tpu.memory_space<vmem>>) target(%dma_start3A_31 : memref<10112x64xf32, #tpu.memory_space<vmem_shared>>) offsets(%arg10 : memref<32xi32, #tpu.memory_space<vmem>>) semaphore(%run_scoped3A : memref<!tpu.dma_semaphore, #tpu.memory_space<semaphore_mem>>) {add = true}
      %dma_wait3A_32 = arith.constant 0 : i32
      %dma_wait3A_33 = arith.constant 0 : i32
      %dma_wait3A_34 = tpu.memref_slice %arg14[%dma_wait3A_32, %dma_wait3A_33] : memref<10112x64xf32, #tpu.memory_space<vmem_shared>> -> memref<10112x64xf32, #tpu.memory_space<vmem_shared>>
      tpu.wait_indirect_dma semaphore(%run_scoped3A : memref<!tpu.dma_semaphore, #tpu.memory_space<semaphore_mem>>) src(%arg12 : memref<32x64xf32, #tpu.memory_space<vmem>>) dst(%dma_wait3A_34 : memref<10112x64xf32, #tpu.memory_space<vmem_shared>>)
      tpu.yield
    }) : () -> ()
    %barrier3A_21 = arith.constant 0 : index
    tpu.barrier barrier_id(%barrier3A_21)
    %mul3A_22 = arith.constant 632 : i32
    %mul3A_23 = arith.muli %arg1, %mul3A_22 : i32
    "tpu.region"() ({
      %run_scoped3A = tpu.sem_alloc : memref<!tpu.dma_semaphore, #tpu.memory_space<semaphore_mem>>
      %dma_start3A_29 = arith.constant 0 : i32
      %dma_start3A_30 = tpu.memref_slice %arg14[%mul3A_23, %dma_start3A_29] : memref<10112x64xf32, #tpu.memory_space<vmem_shared>> -> memref<632x64xf32, #tpu.memory_space<vmem_shared>>
      %dma_start3A_31 = arith.constant 0 : i32
      %dma_start3A_32 = tpu.memref_slice %arg14[%mul3A_23, %dma_start3A_31] : memref<10112x64xf32, #tpu.memory_space<vmem_shared>> -> memref<632x64xf32, #tpu.memory_space<vmem_shared>>
      tpu.enqueue_dma source(%dma_start3A_32 : memref<632x64xf32, #tpu.memory_space<vmem_shared>>) target(%arg13 : memref<632x64xf32, #tpu.memory_space<vmem>>) target_semaphore(%run_scoped3A : memref<!tpu.dma_semaphore, #tpu.memory_space<semaphore_mem>>)
      %dma_wait3A_33 = arith.constant 0 : i32
      %dma_wait3A_34 = tpu.memref_slice %arg14[%mul3A_23, %dma_wait3A_33] : memref<10112x64xf32, #tpu.memory_space<vmem_shared>> -> memref<632x64xf32, #tpu.memory_space<vmem_shared>>
      %dma_wait3A_35 = arith.constant 0 : i32
      %dma_wait3A_36 = tpu.memref_slice %arg14[%mul3A_23, %dma_wait3A_35] : memref<10112x64xf32, #tpu.memory_space<vmem_shared>> -> memref<632x64xf32, #tpu.memory_space<vmem_shared>>
      tpu.wait_dma2 semaphore(%run_scoped3A : memref<!tpu.dma_semaphore, #tpu.memory_space<semaphore_mem>>) src(%dma_wait3A_36 : memref<632x64xf32, #tpu.memory_space<vmem_shared>>) dst(%arg13 : memref<632x64xf32, #tpu.memory_space<vmem>>)
      tpu.yield
    }) : () -> ()
    %mul3A_24 = arith.constant 10112 : i32
    %mul3A_25 = arith.muli %arg0, %mul3A_24 : i32
    %mul3A_26 = arith.constant 632 : i32
    %mul3A_27 = arith.muli %arg1, %mul3A_26 : i32
    %add3A_28 = arith.addi %mul3A_25, %mul3A_27 : i32
    "tpu.region"() ({
      %run_scoped3A = tpu.sem_alloc : memref<!tpu.dma_semaphore, #tpu.memory_space<semaphore_mem>>
      %dma_start3A_29 = arith.constant 0 : i32
      %dma_start3A_30 = tpu.memref_slice %arg6[%add3A_28, %dma_start3A_29] : memref<20224x64xf32, #tpu.memory_space<hbm>> -> memref<632x64xf32, #tpu.memory_space<hbm>>
      %dma_start3A_31 = arith.constant 0 : i32
      %dma_start3A_32 = tpu.memref_slice %arg6[%add3A_28, %dma_start3A_31] : memref<20224x64xf32, #tpu.memory_space<hbm>> -> memref<632x64xf32, #tpu.memory_space<hbm>>
      tpu.enqueue_dma source(%arg13 : memref<632x64xf32, #tpu.memory_space<vmem>>) target(%dma_start3A_32 : memref<632x64xf32, #tpu.memory_space<hbm>>) target_semaphore(%run_scoped3A : memref<!tpu.dma_semaphore, #tpu.memory_space<semaphore_mem>>)
      %dma_wait3A_33 = arith.constant 0 : i32
      %dma_wait3A_34 = tpu.memref_slice %arg6[%add3A_28, %dma_wait3A_33] : memref<20224x64xf32, #tpu.memory_space<hbm>> -> memref<632x64xf32, #tpu.memory_space<hbm>>
      %dma_wait3A_35 = arith.constant 0 : i32
      %dma_wait3A_36 = tpu.memref_slice %arg6[%add3A_28, %dma_wait3A_35] : memref<20224x64xf32, #tpu.memory_space<hbm>> -> memref<632x64xf32, #tpu.memory_space<hbm>>
      tpu.wait_dma2 semaphore(%run_scoped3A : memref<!tpu.dma_semaphore, #tpu.memory_space<semaphore_mem>>) src(%arg13 : memref<632x64xf32, #tpu.memory_space<vmem>>) dst(%dma_wait3A_36 : memref<632x64xf32, #tpu.memory_space<hbm>>)
      tpu.yield
    }) : () -> ()
    return
  }
}

#map = affine_map<(d0, d1) -> (0)>
#map1 = affine_map<(d0, d1) -> (0, 0)>
module attributes {stable_mosaic.version = 14 : i64} {
  func.func @_sc_degree(%arg0: i32, %arg1: i32, %arg2: memref<320000xi32, #tpu.memory_space<hbm>>, %arg3: memref<128x16xf32, #tpu.memory_space<hbm>>, %arg4: memref<632x16xf32, #tpu.memory_space<hbm>>, %arg5: memref<20224x16xf32, #tpu.memory_space<hbm>>, %arg6: memref<128xi32, #tpu.memory_space<vmem>>, %arg7: memref<16xi32, #tpu.memory_space<vmem>>, %arg8: memref<128x16xf32, #tpu.memory_space<vmem>>, %arg9: memref<16x16xf32, #tpu.memory_space<vmem>>, %arg10: memref<632x16xf32, #tpu.memory_space<vmem>>, %arg11: memref<10112x16xf32, #tpu.memory_space<vmem_shared>>) attributes {dimension_semantics = [#tpu.dimension_semantics<core_parallel>, #tpu.dimension_semantics<subcore_parallel>], iteration_bounds = array<i64: 2, 16>, scalar_prefetch = 0 : i64, scratch_operands = 6 : i64, tpu.core_type = #tpu.core_type<sc_vector_subcore>, window_params = [{transform_indices = #map}, {transform_indices = #map1}, {transform_indices = #map1}, {transform_indices = #map1}]} {
    %mul3A = arith.constant 2 : i32
    %mul3A_0 = arith.muli %arg1, %mul3A : i32
    %add3A = arith.addi %mul3A_0, %arg0 : i32
    "tpu.region"() ({
      %run_scoped3A = tpu.sem_alloc : memref<!tpu.dma_semaphore, #tpu.memory_space<semaphore_mem>>
      tpu.enqueue_dma source(%arg3 : memref<128x16xf32, #tpu.memory_space<hbm>>) target(%arg8 : memref<128x16xf32, #tpu.memory_space<vmem>>) target_semaphore(%run_scoped3A : memref<!tpu.dma_semaphore, #tpu.memory_space<semaphore_mem>>)
      tpu.wait_dma2 semaphore(%run_scoped3A : memref<!tpu.dma_semaphore, #tpu.memory_space<semaphore_mem>>) src(%arg3 : memref<128x16xf32, #tpu.memory_space<hbm>>) dst(%arg8 : memref<128x16xf32, #tpu.memory_space<vmem>>)
      tpu.yield
    }) : () -> ()
    "tpu.region"() ({
      %run_scoped3A = tpu.sem_alloc : memref<!tpu.dma_semaphore, #tpu.memory_space<semaphore_mem>>
      %dma_start3A = arith.constant 0 : i32
      %dma_start3A_20 = arith.constant 0 : i32
      %dma_start3A_21 = tpu.memref_slice %arg3[%dma_start3A, %dma_start3A_20] : memref<128x16xf32, #tpu.memory_space<hbm>> -> memref<16x16xf32, #tpu.memory_space<hbm>>
      %dma_start3A_22 = arith.constant 0 : i32
      %dma_start3A_23 = arith.constant 0 : i32
      %dma_start3A_24 = tpu.memref_slice %arg3[%dma_start3A_22, %dma_start3A_23] : memref<128x16xf32, #tpu.memory_space<hbm>> -> memref<16x16xf32, #tpu.memory_space<hbm>>
      tpu.enqueue_dma source(%dma_start3A_24 : memref<16x16xf32, #tpu.memory_space<hbm>>) target(%arg9 : memref<16x16xf32, #tpu.memory_space<vmem>>) target_semaphore(%run_scoped3A : memref<!tpu.dma_semaphore, #tpu.memory_space<semaphore_mem>>)
      %dma_wait3A = arith.constant 0 : i32
      %dma_wait3A_25 = arith.constant 0 : i32
      %dma_wait3A_26 = tpu.memref_slice %arg3[%dma_wait3A, %dma_wait3A_25] : memref<128x16xf32, #tpu.memory_space<hbm>> -> memref<16x16xf32, #tpu.memory_space<hbm>>
      %dma_wait3A_27 = arith.constant 0 : i32
      %dma_wait3A_28 = arith.constant 0 : i32
      %dma_wait3A_29 = tpu.memref_slice %arg3[%dma_wait3A_27, %dma_wait3A_28] : memref<128x16xf32, #tpu.memory_space<hbm>> -> memref<16x16xf32, #tpu.memory_space<hbm>>
      tpu.wait_dma2 semaphore(%run_scoped3A : memref<!tpu.dma_semaphore, #tpu.memory_space<semaphore_mem>>) src(%dma_wait3A_29 : memref<16x16xf32, #tpu.memory_space<hbm>>) dst(%arg9 : memref<16x16xf32, #tpu.memory_space<vmem>>)
      tpu.yield
    }) : () -> ()
    "tpu.region"() ({
      %run_scoped3A = tpu.sem_alloc : memref<!tpu.dma_semaphore, #tpu.memory_space<semaphore_mem>>
      tpu.enqueue_dma source(%arg4 : memref<632x16xf32, #tpu.memory_space<hbm>>) target(%arg10 : memref<632x16xf32, #tpu.memory_space<vmem>>) target_semaphore(%run_scoped3A : memref<!tpu.dma_semaphore, #tpu.memory_space<semaphore_mem>>)
      tpu.wait_dma2 semaphore(%run_scoped3A : memref<!tpu.dma_semaphore, #tpu.memory_space<semaphore_mem>>) src(%arg4 : memref<632x16xf32, #tpu.memory_space<hbm>>) dst(%arg10 : memref<632x16xf32, #tpu.memory_space<vmem>>)
      tpu.yield
    }) : () -> ()
    %mul3A_1 = arith.constant 632 : i32
    %mul3A_2 = arith.muli %arg1, %mul3A_1 : i32
    "tpu.region"() ({
      %run_scoped3A = tpu.sem_alloc : memref<!tpu.dma_semaphore, #tpu.memory_space<semaphore_mem>>
      %dma_start3A = arith.constant 0 : i32
      %dma_start3A_20 = tpu.memref_slice %arg11[%mul3A_2, %dma_start3A] : memref<10112x16xf32, #tpu.memory_space<vmem_shared>> -> memref<632x16xf32, #tpu.memory_space<vmem_shared>>
      %dma_start3A_21 = arith.constant 0 : i32
      %dma_start3A_22 = tpu.memref_slice %arg11[%mul3A_2, %dma_start3A_21] : memref<10112x16xf32, #tpu.memory_space<vmem_shared>> -> memref<632x16xf32, #tpu.memory_space<vmem_shared>>
      tpu.enqueue_dma source(%arg10 : memref<632x16xf32, #tpu.memory_space<vmem>>) target(%dma_start3A_22 : memref<632x16xf32, #tpu.memory_space<vmem_shared>>) target_semaphore(%run_scoped3A : memref<!tpu.dma_semaphore, #tpu.memory_space<semaphore_mem>>)
      %dma_wait3A = arith.constant 0 : i32
      %dma_wait3A_23 = tpu.memref_slice %arg11[%mul3A_2, %dma_wait3A] : memref<10112x16xf32, #tpu.memory_space<vmem_shared>> -> memref<632x16xf32, #tpu.memory_space<vmem_shared>>
      %dma_wait3A_24 = arith.constant 0 : i32
      %dma_wait3A_25 = tpu.memref_slice %arg11[%mul3A_2, %dma_wait3A_24] : memref<10112x16xf32, #tpu.memory_space<vmem_shared>> -> memref<632x16xf32, #tpu.memory_space<vmem_shared>>
      tpu.wait_dma2 semaphore(%run_scoped3A : memref<!tpu.dma_semaphore, #tpu.memory_space<semaphore_mem>>) src(%arg10 : memref<632x16xf32, #tpu.memory_space<vmem>>) dst(%dma_wait3A_25 : memref<632x16xf32, #tpu.memory_space<vmem_shared>>)
      tpu.yield
    }) : () -> ()
    %barrier3A = arith.constant 0 : index
    tpu.barrier barrier_id(%barrier3A)
    %mul3A_3 = arith.constant 10000 : i32
    %mul3A_4 = arith.muli %add3A, %mul3A_3 : i32
    %scan3A = arith.constant 0 : i32
    %scan3A_5 = arith.constant 0 : i32
    %scan3A_6 = arith.constant 78 : i32
    %scan3A_7 = arith.addi %scan3A_5, %scan3A_6 : i32
    %scan3A_8 = arith.constant 1 : i32
    scf.for %scan3A_20 = %scan3A_5 to %scan3A_7 step %scan3A_8  : i32 {
      %mul3A_21 = arith.constant 128 : i32
      %mul3A_22 = arith.muli %scan3A_20, %mul3A_21 : i32
      %add3A_23 = arith.addi %mul3A_4, %mul3A_22 : i32
      "tpu.region"() ({
        %run_scoped3A = tpu.sem_alloc : memref<!tpu.dma_semaphore, #tpu.memory_space<semaphore_mem>>
        %dma_start3A = tpu.memref_slice %arg2[%add3A_23] : memref<320000xi32, #tpu.memory_space<hbm>> -> memref<128xi32, #tpu.memory_space<hbm>>
        %dma_start3A_24 = tpu.memref_slice %arg2[%add3A_23] : memref<320000xi32, #tpu.memory_space<hbm>> -> memref<128xi32, #tpu.memory_space<hbm>>
        tpu.enqueue_dma source(%dma_start3A_24 : memref<128xi32, #tpu.memory_space<hbm>>) target(%arg6 : memref<128xi32, #tpu.memory_space<vmem>>) target_semaphore(%run_scoped3A : memref<!tpu.dma_semaphore, #tpu.memory_space<semaphore_mem>>)
        %dma_wait3A = tpu.memref_slice %arg2[%add3A_23] : memref<320000xi32, #tpu.memory_space<hbm>> -> memref<128xi32, #tpu.memory_space<hbm>>
        %dma_wait3A_25 = tpu.memref_slice %arg2[%add3A_23] : memref<320000xi32, #tpu.memory_space<hbm>> -> memref<128xi32, #tpu.memory_space<hbm>>
        tpu.wait_dma2 semaphore(%run_scoped3A : memref<!tpu.dma_semaphore, #tpu.memory_space<semaphore_mem>>) src(%dma_wait3A_25 : memref<128xi32, #tpu.memory_space<hbm>>) dst(%arg6 : memref<128xi32, #tpu.memory_space<vmem>>)
        tpu.yield
      }) : () -> ()
      "tpu.region"() ({
        %run_scoped3A = tpu.sem_alloc : memref<!tpu.dma_semaphore, #tpu.memory_space<semaphore_mem>>
        %dma_start3A = arith.constant 0 : i32
        %dma_start3A_24 = arith.constant 0 : i32
        %dma_start3A_25 = tpu.memref_slice %arg11[%dma_start3A, %dma_start3A_24] : memref<10112x16xf32, #tpu.memory_space<vmem_shared>> -> memref<10112x16xf32, #tpu.memory_space<vmem_shared>>
        tpu.enqueue_indirect_dma source(%arg8 : memref<128x16xf32, #tpu.memory_space<vmem>>) target(%dma_start3A_25 : memref<10112x16xf32, #tpu.memory_space<vmem_shared>>) offsets(%arg6 : memref<128xi32, #tpu.memory_space<vmem>>) semaphore(%run_scoped3A : memref<!tpu.dma_semaphore, #tpu.memory_space<semaphore_mem>>) {add = true}
        %dma_wait3A = arith.constant 0 : i32
        %dma_wait3A_26 = arith.constant 0 : i32
        %dma_wait3A_27 = tpu.memref_slice %arg11[%dma_wait3A, %dma_wait3A_26] : memref<10112x16xf32, #tpu.memory_space<vmem_shared>> -> memref<10112x16xf32, #tpu.memory_space<vmem_shared>>
        tpu.wait_indirect_dma semaphore(%run_scoped3A : memref<!tpu.dma_semaphore, #tpu.memory_space<semaphore_mem>>) src(%arg8 : memref<128x16xf32, #tpu.memory_space<vmem>>) dst(%dma_wait3A_27 : memref<10112x16xf32, #tpu.memory_space<vmem_shared>>)
        tpu.yield
      }) : () -> ()
    }
    %scan3A_9 = arith.constant 78 : i32
    %add3A_10 = arith.constant 9984 : i32
    %add3A_11 = arith.addi %mul3A_4, %add3A_10 : i32
    "tpu.region"() ({
      %run_scoped3A = tpu.sem_alloc : memref<!tpu.dma_semaphore, #tpu.memory_space<semaphore_mem>>
      %dma_start3A = tpu.memref_slice %arg2[%add3A_11] : memref<320000xi32, #tpu.memory_space<hbm>> -> memref<16xi32, #tpu.memory_space<hbm>>
      %dma_start3A_20 = tpu.memref_slice %arg2[%add3A_11] : memref<320000xi32, #tpu.memory_space<hbm>> -> memref<16xi32, #tpu.memory_space<hbm>>
      tpu.enqueue_dma source(%dma_start3A_20 : memref<16xi32, #tpu.memory_space<hbm>>) target(%arg7 : memref<16xi32, #tpu.memory_space<vmem>>) target_semaphore(%run_scoped3A : memref<!tpu.dma_semaphore, #tpu.memory_space<semaphore_mem>>)
      %dma_wait3A = tpu.memref_slice %arg2[%add3A_11] : memref<320000xi32, #tpu.memory_space<hbm>> -> memref<16xi32, #tpu.memory_space<hbm>>
      %dma_wait3A_21 = tpu.memref_slice %arg2[%add3A_11] : memref<320000xi32, #tpu.memory_space<hbm>> -> memref<16xi32, #tpu.memory_space<hbm>>
      tpu.wait_dma2 semaphore(%run_scoped3A : memref<!tpu.dma_semaphore, #tpu.memory_space<semaphore_mem>>) src(%dma_wait3A_21 : memref<16xi32, #tpu.memory_space<hbm>>) dst(%arg7 : memref<16xi32, #tpu.memory_space<vmem>>)
      tpu.yield
    }) : () -> ()
    "tpu.region"() ({
      %run_scoped3A = tpu.sem_alloc : memref<!tpu.dma_semaphore, #tpu.memory_space<semaphore_mem>>
      %dma_start3A = arith.constant 0 : i32
      %dma_start3A_20 = arith.constant 0 : i32
      %dma_start3A_21 = tpu.memref_slice %arg11[%dma_start3A, %dma_start3A_20] : memref<10112x16xf32, #tpu.memory_space<vmem_shared>> -> memref<10112x16xf32, #tpu.memory_space<vmem_shared>>
      tpu.enqueue_indirect_dma source(%arg9 : memref<16x16xf32, #tpu.memory_space<vmem>>) target(%dma_start3A_21 : memref<10112x16xf32, #tpu.memory_space<vmem_shared>>) offsets(%arg7 : memref<16xi32, #tpu.memory_space<vmem>>) semaphore(%run_scoped3A : memref<!tpu.dma_semaphore, #tpu.memory_space<semaphore_mem>>) {add = true}
      %dma_wait3A = arith.constant 0 : i32
      %dma_wait3A_22 = arith.constant 0 : i32
      %dma_wait3A_23 = tpu.memref_slice %arg11[%dma_wait3A, %dma_wait3A_22] : memref<10112x16xf32, #tpu.memory_space<vmem_shared>> -> memref<10112x16xf32, #tpu.memory_space<vmem_shared>>
      tpu.wait_indirect_dma semaphore(%run_scoped3A : memref<!tpu.dma_semaphore, #tpu.memory_space<semaphore_mem>>) src(%arg9 : memref<16x16xf32, #tpu.memory_space<vmem>>) dst(%dma_wait3A_23 : memref<10112x16xf32, #tpu.memory_space<vmem_shared>>)
      tpu.yield
    }) : () -> ()
    %barrier3A_12 = arith.constant 0 : index
    tpu.barrier barrier_id(%barrier3A_12)
    %mul3A_13 = arith.constant 632 : i32
    %mul3A_14 = arith.muli %arg1, %mul3A_13 : i32
    "tpu.region"() ({
      %run_scoped3A = tpu.sem_alloc : memref<!tpu.dma_semaphore, #tpu.memory_space<semaphore_mem>>
      %dma_start3A = arith.constant 0 : i32
      %dma_start3A_20 = tpu.memref_slice %arg11[%mul3A_14, %dma_start3A] : memref<10112x16xf32, #tpu.memory_space<vmem_shared>> -> memref<632x16xf32, #tpu.memory_space<vmem_shared>>
      %dma_start3A_21 = arith.constant 0 : i32
      %dma_start3A_22 = tpu.memref_slice %arg11[%mul3A_14, %dma_start3A_21] : memref<10112x16xf32, #tpu.memory_space<vmem_shared>> -> memref<632x16xf32, #tpu.memory_space<vmem_shared>>
      tpu.enqueue_dma source(%dma_start3A_22 : memref<632x16xf32, #tpu.memory_space<vmem_shared>>) target(%arg10 : memref<632x16xf32, #tpu.memory_space<vmem>>) target_semaphore(%run_scoped3A : memref<!tpu.dma_semaphore, #tpu.memory_space<semaphore_mem>>)
      %dma_wait3A = arith.constant 0 : i32
      %dma_wait3A_23 = tpu.memref_slice %arg11[%mul3A_14, %dma_wait3A] : memref<10112x16xf32, #tpu.memory_space<vmem_shared>> -> memref<632x16xf32, #tpu.memory_space<vmem_shared>>
      %dma_wait3A_24 = arith.constant 0 : i32
      %dma_wait3A_25 = tpu.memref_slice %arg11[%mul3A_14, %dma_wait3A_24] : memref<10112x16xf32, #tpu.memory_space<vmem_shared>> -> memref<632x16xf32, #tpu.memory_space<vmem_shared>>
      tpu.wait_dma2 semaphore(%run_scoped3A : memref<!tpu.dma_semaphore, #tpu.memory_space<semaphore_mem>>) src(%dma_wait3A_25 : memref<632x16xf32, #tpu.memory_space<vmem_shared>>) dst(%arg10 : memref<632x16xf32, #tpu.memory_space<vmem>>)
      tpu.yield
    }) : () -> ()
    %mul3A_15 = arith.constant 10112 : i32
    %mul3A_16 = arith.muli %arg0, %mul3A_15 : i32
    %mul3A_17 = arith.constant 632 : i32
    %mul3A_18 = arith.muli %arg1, %mul3A_17 : i32
    %add3A_19 = arith.addi %mul3A_16, %mul3A_18 : i32
    "tpu.region"() ({
      %run_scoped3A = tpu.sem_alloc : memref<!tpu.dma_semaphore, #tpu.memory_space<semaphore_mem>>
      %dma_start3A = arith.constant 0 : i32
      %dma_start3A_20 = tpu.memref_slice %arg5[%add3A_19, %dma_start3A] : memref<20224x16xf32, #tpu.memory_space<hbm>> -> memref<632x16xf32, #tpu.memory_space<hbm>>
      %dma_start3A_21 = arith.constant 0 : i32
      %dma_start3A_22 = tpu.memref_slice %arg5[%add3A_19, %dma_start3A_21] : memref<20224x16xf32, #tpu.memory_space<hbm>> -> memref<632x16xf32, #tpu.memory_space<hbm>>
      tpu.enqueue_dma source(%arg10 : memref<632x16xf32, #tpu.memory_space<vmem>>) target(%dma_start3A_22 : memref<632x16xf32, #tpu.memory_space<hbm>>) target_semaphore(%run_scoped3A : memref<!tpu.dma_semaphore, #tpu.memory_space<semaphore_mem>>)
      %dma_wait3A = arith.constant 0 : i32
      %dma_wait3A_23 = tpu.memref_slice %arg5[%add3A_19, %dma_wait3A] : memref<20224x16xf32, #tpu.memory_space<hbm>> -> memref<632x16xf32, #tpu.memory_space<hbm>>
      %dma_wait3A_24 = arith.constant 0 : i32
      %dma_wait3A_25 = tpu.memref_slice %arg5[%add3A_19, %dma_wait3A_24] : memref<20224x16xf32, #tpu.memory_space<hbm>> -> memref<632x16xf32, #tpu.memory_space<hbm>>
      tpu.wait_dma2 semaphore(%run_scoped3A : memref<!tpu.dma_semaphore, #tpu.memory_space<semaphore_mem>>) src(%arg10 : memref<632x16xf32, #tpu.memory_space<vmem>>) dst(%dma_wait3A_25 : memref<632x16xf32, #tpu.memory_space<hbm>>)
      tpu.yield
    }) : () -> ()
    return
  }
}

module attributes {stable_mosaic.version = 14 : i64} {
  func.func @body(%arg0: memref<250x4xf32, #tpu.memory_space<vmem>>, %arg1: memref<40x3xf32, #tpu.memory_space<vmem>>, %arg2: memref<4x128xf32, #tpu.memory_space<vmem>>, %arg3: memref<3x128xf32, #tpu.memory_space<vmem>>, %arg4: memref<2x10000x16xf32, #tpu.memory_space<vmem>>, %arg5: memref<2x10000x64xf32, #tpu.memory_space<vmem>>, %arg6: memref<10000x1xf32, #tpu.memory_space<vmem>>) attributes {dimension_semantics = [], scalar_prefetch = 0 : i64, scratch_operands = 0 : i64, tpu.core_type = #tpu.core_type<tc>} {
    %get3A = arith.constant 0 : index
    %get3A_0 = arith.constant 0 : index
    %get3A_1 = arith.constant 0 : index
    %get3A_2 = vector.load %arg4[%get3A, %get3A_0, %get3A_1] : memref<2x10000x16xf32, #tpu.memory_space<vmem>>, vector<1x10000x16xf32>
    %get3A_3 = vector.shape_cast %get3A_2 : vector<1x10000x16xf32> to vector<10000x16xf32>
    %get3A_4 = arith.constant 1 : index
    %get3A_5 = arith.constant 0 : index
    %get3A_6 = arith.constant 0 : index
    %get3A_7 = vector.load %arg4[%get3A_4, %get3A_5, %get3A_6] : memref<2x10000x16xf32, #tpu.memory_space<vmem>>, vector<1x10000x16xf32>
    %get3A_8 = vector.shape_cast %get3A_7 : vector<1x10000x16xf32> to vector<10000x16xf32>
    %add3A = arith.addf %get3A_3, %get3A_8 : vector<10000x16xf32>
    %slice3A = vector.extract_strided_slice %add3A {offsets = [0, 0], sizes = [10000, 1], strides = [1, 1]} : vector<10000x16xf32> to vector<10000x1xf32>
    %add3A_9 = arith.constant 1.000000e+00 : f32
    %add3A_10 = vector.broadcast %add3A_9 : f32 to vector<10000x1xf32>
    %add3A_11 = arith.addf %slice3A, %add3A_10 : vector<10000x1xf32>
    %rsqrt3A = math.rsqrt %add3A_11 : vector<10000x1xf32>
    %get3A_12 = arith.constant 0 : index
    %get3A_13 = arith.constant 0 : index
    %get3A_14 = vector.load %arg0[%get3A_12, %get3A_13] : memref<250x4xf32, #tpu.memory_space<vmem>>, vector<250x4xf32>
    %get3A_15 = arith.constant 0 : index
    %get3A_16 = arith.constant 0 : index
    %get3A_17 = vector.load %arg2[%get3A_15, %get3A_16] : memref<4x128xf32, #tpu.memory_space<vmem>>, vector<4x128xf32>
    %dot_general3A = arith.constant dense<0.000000e+00> : vector<250x128xf32>
    %dot_general3A_18 = tpu.matmul %get3A_14, %get3A_17, %dot_general3A {dimension_numbers = #tpu.dot_dimension_numbers<[1], [0], [0], [1], [0, 0, 1, 1], [], []>, transpose_lhs_hint = false} : vector<250x4xf32>, vector<4x128xf32>, vector<250x128xf32> -> vector<250x128xf32>
    %get3A_19 = arith.constant 0 : index
    %get3A_20 = arith.constant 0 : index
    %get3A_21 = vector.load %arg1[%get3A_19, %get3A_20] : memref<40x3xf32, #tpu.memory_space<vmem>>, vector<40x3xf32>
    %get3A_22 = arith.constant 0 : index
    %get3A_23 = arith.constant 0 : index
    %get3A_24 = vector.load %arg3[%get3A_22, %get3A_23] : memref<3x128xf32, #tpu.memory_space<vmem>>, vector<3x128xf32>
    %dot_general3A_25 = arith.constant dense<0.000000e+00> : vector<40x128xf32>
    %dot_general3A_26 = tpu.matmul %get3A_21, %get3A_24, %dot_general3A_25 {dimension_numbers = #tpu.dot_dimension_numbers<[1], [0], [0], [1], [0, 0, 1, 1], [], []>, transpose_lhs_hint = false} : vector<40x3xf32>, vector<3x128xf32>, vector<40x128xf32> -> vector<40x128xf32>
    %broadcast_in_dim3A = vector.shape_cast %dot_general3A_18 : vector<250x128xf32> to vector<250x1x128xf32>
    %broadcast_in_dim3A_27 = vector.shape_cast %dot_general3A_26 : vector<40x128xf32> to vector<1x40x128xf32>
    %add3A_28 = vector.broadcast %broadcast_in_dim3A : vector<250x1x128xf32> to vector<250x40x128xf32>
    %add3A_29 = vector.broadcast %broadcast_in_dim3A_27 : vector<1x40x128xf32> to vector<250x40x128xf32>
    %add3A_30 = arith.addf %add3A_28, %add3A_29 : vector<250x40x128xf32>
    %reshape3A = vector.shape_cast %add3A_30 : vector<250x40x128xf32> to vector<10000x128xf32>
    %mul3A = vector.broadcast %rsqrt3A : vector<10000x1xf32> to vector<10000x128xf32>
    %mul3A_31 = arith.mulf %mul3A, %reshape3A : vector<10000x128xf32>
    %slice3A_32 = vector.extract_strided_slice %mul3A_31 {offsets = [0, 0], sizes = [10000, 64], strides = [1, 1]} : vector<10000x128xf32> to vector<10000x64xf32>
    %swap3A = arith.constant 0 : index
    %swap3A_33 = arith.constant 0 : index
    %swap3A_34 = arith.constant 0 : index
    %swap3A_35 = vector.load %arg5[%swap3A, %swap3A_33, %swap3A_34] : memref<2x10000x64xf32, #tpu.memory_space<vmem>>, vector<1x10000x64xf32>
    %swap3A_36 = vector.shape_cast %swap3A_35 : vector<1x10000x64xf32> to vector<10000x64xf32>
    %swap3A_37 = vector.shape_cast %slice3A_32 : vector<10000x64xf32> to vector<1x10000x64xf32>
    tpu.vector_store %arg5[%swap3A, %swap3A_33, %swap3A_34], %swap3A_37 {strides = array<i32>} : memref<2x10000x64xf32, #tpu.memory_space<vmem>>, vector<1x10000x64xf32>,
    %slice3A_38 = vector.extract_strided_slice %mul3A_31 {offsets = [0, 64], sizes = [10000, 64], strides = [1, 1]} : vector<10000x128xf32> to vector<10000x64xf32>
    %swap3A_39 = arith.constant 1 : index
    %swap3A_40 = arith.constant 0 : index
    %swap3A_41 = arith.constant 0 : index
    %swap3A_42 = vector.load %arg5[%swap3A_39, %swap3A_40, %swap3A_41] : memref<2x10000x64xf32, #tpu.memory_space<vmem>>, vector<1x10000x64xf32>
    %swap3A_43 = vector.shape_cast %swap3A_42 : vector<1x10000x64xf32> to vector<10000x64xf32>
    %swap3A_44 = vector.shape_cast %slice3A_38 : vector<10000x64xf32> to vector<1x10000x64xf32>
    tpu.vector_store %arg5[%swap3A_39, %swap3A_40, %swap3A_41], %swap3A_44 {strides = array<i32>} : memref<2x10000x64xf32, #tpu.memory_space<vmem>>, vector<1x10000x64xf32>,
    %swap3A_45 = arith.constant 0 : index
    %swap3A_46 = arith.constant 0 : index
    %swap3A_47 = vector.load %arg6[%swap3A_45, %swap3A_46] : memref<10000x1xf32, #tpu.memory_space<vmem>>, vector<10000x1xf32>
    tpu.vector_store %arg6[%swap3A_45, %swap3A_46], %rsqrt3A {strides = array<i32>} : memref<10000x1xf32, #tpu.memory_space<vmem>>, vector<10000x1xf32>,
    return
  }
}

module attributes {stable_mosaic.version = 14 : i64} {
  func.func @body(%arg0: memref<20224x64xf32, #tpu.memory_space<vmem>>, %arg1: memref<2x10000x64xf32, #tpu.memory_space<vmem>>, %arg2: memref<1x128xf32, #tpu.memory_space<vmem>>, %arg3: memref<128x128xf32, #tpu.memory_space<vmem>>, %arg4: memref<10000x1xf32, #tpu.memory_space<vmem>>, %arg5: memref<2x10000x64xf32, #tpu.memory_space<vmem>>) attributes {dimension_semantics = [], scalar_prefetch = 0 : i64, scratch_operands = 0 : i64, tpu.core_type = #tpu.core_type<tc>} {
    %get3A = arith.constant 0 : index
    %get3A_0 = arith.constant 0 : index
    %get3A_1 = vector.load %arg0[%get3A, %get3A_0] : memref<20224x64xf32, #tpu.memory_space<vmem>>, vector<10000x64xf32>
    %get3A_2 = arith.constant 10112 : index
    %get3A_3 = arith.constant 0 : index
    %get3A_4 = vector.load %arg0[%get3A_2, %get3A_3] : memref<20224x64xf32, #tpu.memory_space<vmem>>, vector<10000x64xf32>
    %concatenate3A = tpu.concatenate %get3A_1, %get3A_4 in 1 : vector<10000x64xf32>, vector<10000x64xf32> -> vector<10000x128xf32>
    %get3A_5 = arith.constant 0 : index
    %get3A_6 = arith.constant 0 : index
    %get3A_7 = arith.constant 0 : index
    %get3A_8 = vector.load %arg1[%get3A_5, %get3A_6, %get3A_7] : memref<2x10000x64xf32, #tpu.memory_space<vmem>>, vector<1x10000x64xf32>
    %get3A_9 = vector.shape_cast %get3A_8 : vector<1x10000x64xf32> to vector<10000x64xf32>
    %get3A_10 = arith.constant 1 : index
    %get3A_11 = arith.constant 0 : index
    %get3A_12 = arith.constant 0 : index
    %get3A_13 = vector.load %arg1[%get3A_10, %get3A_11, %get3A_12] : memref<2x10000x64xf32, #tpu.memory_space<vmem>>, vector<1x10000x64xf32>
    %get3A_14 = vector.shape_cast %get3A_13 : vector<1x10000x64xf32> to vector<10000x64xf32>
    %concatenate3A_15 = tpu.concatenate %get3A_9, %get3A_14 in 1 : vector<10000x64xf32>, vector<10000x64xf32> -> vector<10000x128xf32>
    %get3A_16 = arith.constant 0 : index
    %get3A_17 = arith.constant 0 : index
    %get3A_18 = vector.load %arg4[%get3A_16, %get3A_17] : memref<10000x1xf32, #tpu.memory_space<vmem>>, vector<10000x1xf32>
    %add3A = arith.addf %concatenate3A, %concatenate3A_15 : vector<10000x128xf32>
    %mul3A = vector.broadcast %get3A_18 : vector<10000x1xf32> to vector<10000x128xf32>
    %mul3A_19 = arith.mulf %mul3A, %add3A : vector<10000x128xf32>
    %get3A_20 = arith.constant 0 : index
    %get3A_21 = arith.constant 0 : index
    %get3A_22 = vector.load %arg2[%get3A_20, %get3A_21] : memref<1x128xf32, #tpu.memory_space<vmem>>, vector<1x128xf32>
    %add3A_23 = vector.broadcast %get3A_22 : vector<1x128xf32> to vector<10000x128xf32>
    %add3A_24 = arith.addf %mul3A_19, %add3A_23 : vector<10000x128xf32>
    %max3A = arith.constant 0.000000e+00 : f32
    %max3A_25 = vector.broadcast %max3A : f32 to vector<10000x128xf32>
    %max3A_26 = arith.maximumf %add3A_24, %max3A_25 : vector<10000x128xf32>
    %get3A_27 = arith.constant 0 : index
    %get3A_28 = arith.constant 0 : index
    %get3A_29 = vector.load %arg3[%get3A_27, %get3A_28] : memref<128x128xf32, #tpu.memory_space<vmem>>, vector<128x128xf32>
    %dot_general3A = arith.constant dense<0.000000e+00> : vector<10000x128xf32>
    %dot_general3A_30 = tpu.matmul %max3A_26, %get3A_29, %dot_general3A {dimension_numbers = #tpu.dot_dimension_numbers<[1], [0], [0], [1], [0, 0, 1, 1], [], []>, transpose_lhs_hint = false} : vector<10000x128xf32>, vector<128x128xf32>, vector<10000x128xf32> -> vector<10000x128xf32>
    %mul3A_31 = vector.broadcast %get3A_18 : vector<10000x1xf32> to vector<10000x128xf32>
    %mul3A_32 = arith.mulf %mul3A_31, %dot_general3A_30 : vector<10000x128xf32>
    %slice3A = vector.extract_strided_slice %mul3A_32 {offsets = [0, 0], sizes = [10000, 64], strides = [1, 1]} : vector<10000x128xf32> to vector<10000x64xf32>
    %swap3A = arith.constant 0 : index
    %swap3A_33 = arith.constant 0 : index
    %swap3A_34 = arith.constant 0 : index
    %swap3A_35 = vector.load %arg5[%swap3A, %swap3A_33, %swap3A_34] : memref<2x10000x64xf32, #tpu.memory_space<vmem>>, vector<1x10000x64xf32>
    %swap3A_36 = vector.shape_cast %swap3A_35 : vector<1x10000x64xf32> to vector<10000x64xf32>
    %swap3A_37 = vector.shape_cast %slice3A : vector<10000x64xf32> to vector<1x10000x64xf32>
    tpu.vector_store %arg5[%swap3A, %swap3A_33, %swap3A_34], %swap3A_37 {strides = array<i32>} : memref<2x10000x64xf32, #tpu.memory_space<vmem>>, vector<1x10000x64xf32>,
    %slice3A_38 = vector.extract_strided_slice %mul3A_32 {offsets = [0, 64], sizes = [10000, 64], strides = [1, 1]} : vector<10000x128xf32> to vector<10000x64xf32>
    %swap3A_39 = arith.constant 1 : index
    %swap3A_40 = arith.constant 0 : index
    %swap3A_41 = arith.constant 0 : index
    %swap3A_42 = vector.load %arg5[%swap3A_39, %swap3A_40, %swap3A_41] : memref<2x10000x64xf32, #tpu.memory_space<vmem>>, vector<1x10000x64xf32>
    %swap3A_43 = vector.shape_cast %swap3A_42 : vector<1x10000x64xf32> to vector<10000x64xf32>
    %swap3A_44 = vector.shape_cast %slice3A_38 : vector<10000x64xf32> to vector<1x10000x64xf32>
    tpu.vector_store %arg5[%swap3A_39, %swap3A_40, %swap3A_41], %swap3A_44 {strides = array<i32>} : memref<2x10000x64xf32, #tpu.memory_space<vmem>>, vector<1x10000x64xf32>,
    return
  }
}

module attributes {stable_mosaic.version = 14 : i64} {
  func.func @body(%arg0: memref<20224x64xf32, #tpu.memory_space<vmem>>, %arg1: memref<2x10000x64xf32, #tpu.memory_space<vmem>>, %arg2: memref<1x128xf32, #tpu.memory_space<vmem>>, %arg3: memref<128x128xf32, #tpu.memory_space<vmem>>, %arg4: memref<1x128xf32, #tpu.memory_space<vmem>>, %arg5: memref<128x1xf32, #tpu.memory_space<vmem>>, %arg6: memref<1x1xf32, #tpu.memory_space<vmem>>, %arg7: memref<10000x1xf32, #tpu.memory_space<vmem>>, %arg8: memref<10000x1xf32, #tpu.memory_space<vmem>>) attributes {dimension_semantics = [], scalar_prefetch = 0 : i64, scratch_operands = 0 : i64, tpu.core_type = #tpu.core_type<tc>} {
    %get3A = arith.constant 0 : index
    %get3A_0 = arith.constant 0 : index
    %get3A_1 = vector.load %arg0[%get3A, %get3A_0] : memref<20224x64xf32, #tpu.memory_space<vmem>>, vector<10000x64xf32>
    %get3A_2 = arith.constant 10112 : index
    %get3A_3 = arith.constant 0 : index
    %get3A_4 = vector.load %arg0[%get3A_2, %get3A_3] : memref<20224x64xf32, #tpu.memory_space<vmem>>, vector<10000x64xf32>
    %concatenate3A = tpu.concatenate %get3A_1, %get3A_4 in 1 : vector<10000x64xf32>, vector<10000x64xf32> -> vector<10000x128xf32>
    %get3A_5 = arith.constant 0 : index
    %get3A_6 = arith.constant 0 : index
    %get3A_7 = arith.constant 0 : index
    %get3A_8 = vector.load %arg1[%get3A_5, %get3A_6, %get3A_7] : memref<2x10000x64xf32, #tpu.memory_space<vmem>>, vector<1x10000x64xf32>
    %get3A_9 = vector.shape_cast %get3A_8 : vector<1x10000x64xf32> to vector<10000x64xf32>
    %get3A_10 = arith.constant 1 : index
    %get3A_11 = arith.constant 0 : index
    %get3A_12 = arith.constant 0 : index
    %get3A_13 = vector.load %arg1[%get3A_10, %get3A_11, %get3A_12] : memref<2x10000x64xf32, #tpu.memory_space<vmem>>, vector<1x10000x64xf32>
    %get3A_14 = vector.shape_cast %get3A_13 : vector<1x10000x64xf32> to vector<10000x64xf32>
    %concatenate3A_15 = tpu.concatenate %get3A_9, %get3A_14 in 1 : vector<10000x64xf32>, vector<10000x64xf32> -> vector<10000x128xf32>
    %get3A_16 = arith.constant 0 : index
    %get3A_17 = arith.constant 0 : index
    %get3A_18 = vector.load %arg7[%get3A_16, %get3A_17] : memref<10000x1xf32, #tpu.memory_space<vmem>>, vector<10000x1xf32>
    %add3A = arith.addf %concatenate3A, %concatenate3A_15 : vector<10000x128xf32>
    %mul3A = vector.broadcast %get3A_18 : vector<10000x1xf32> to vector<10000x128xf32>
    %mul3A_19 = arith.mulf %mul3A, %add3A : vector<10000x128xf32>
    %get3A_20 = arith.constant 0 : index
    %get3A_21 = arith.constant 0 : index
    %get3A_22 = vector.load %arg2[%get3A_20, %get3A_21] : memref<1x128xf32, #tpu.memory_space<vmem>>, vector<1x128xf32>
    %add3A_23 = vector.broadcast %get3A_22 : vector<1x128xf32> to vector<10000x128xf32>
    %add3A_24 = arith.addf %mul3A_19, %add3A_23 : vector<10000x128xf32>
    %max3A = arith.constant 0.000000e+00 : f32
    %max3A_25 = vector.broadcast %max3A : f32 to vector<10000x128xf32>
    %max3A_26 = arith.maximumf %add3A_24, %max3A_25 : vector<10000x128xf32>
    %get3A_27 = arith.constant 0 : index
    %get3A_28 = arith.constant 0 : index
    %get3A_29 = vector.load %arg3[%get3A_27, %get3A_28] : memref<128x128xf32, #tpu.memory_space<vmem>>, vector<128x128xf32>
    %dot_general3A = arith.constant dense<0.000000e+00> : vector<10000x128xf32>
    %dot_general3A_30 = tpu.matmul %max3A_26, %get3A_29, %dot_general3A {dimension_numbers = #tpu.dot_dimension_numbers<[1], [0], [0], [1], [0, 0, 1, 1], [], []>, transpose_lhs_hint = false} : vector<10000x128xf32>, vector<128x128xf32>, vector<10000x128xf32> -> vector<10000x128xf32>
    %get3A_31 = arith.constant 0 : index
    %get3A_32 = arith.constant 0 : index
    %get3A_33 = vector.load %arg4[%get3A_31, %get3A_32] : memref<1x128xf32, #tpu.memory_space<vmem>>, vector<1x128xf32>
    %add3A_34 = vector.broadcast %get3A_33 : vector<1x128xf32> to vector<10000x128xf32>
    %add3A_35 = arith.addf %dot_general3A_30, %add3A_34 : vector<10000x128xf32>
    %max3A_36 = arith.constant 0.000000e+00 : f32
    %max3A_37 = vector.broadcast %max3A_36 : f32 to vector<10000x128xf32>
    %max3A_38 = arith.maximumf %add3A_35, %max3A_37 : vector<10000x128xf32>
    %get3A_39 = arith.constant 0 : index
    %get3A_40 = arith.constant 0 : index
    %get3A_41 = vector.load %arg5[%get3A_39, %get3A_40] : memref<128x1xf32, #tpu.memory_space<vmem>>, vector<128x1xf32>
    %dot_general3A_42 = arith.constant dense<0.000000e+00> : vector<10000x1xf32>
    %dot_general3A_43 = tpu.matmul %max3A_38, %get3A_41, %dot_general3A_42 {dimension_numbers = #tpu.dot_dimension_numbers<[1], [0], [0], [1], [0, 0, 1, 1], [], []>, transpose_lhs_hint = false} : vector<10000x128xf32>, vector<128x1xf32>, vector<10000x1xf32> -> vector<10000x1xf32>
    %get3A_44 = arith.constant 0 : index
    %get3A_45 = arith.constant 0 : index
    %get3A_46 = vector.load %arg6[%get3A_44, %get3A_45] : memref<1x1xf32, #tpu.memory_space<vmem>>, vector<1x1xf32>
    %add3A_47 = vector.broadcast %get3A_46 : vector<1x1xf32> to vector<10000x1xf32>
    %add3A_48 = arith.addf %dot_general3A_43, %add3A_47 : vector<10000x1xf32>
    %swap3A = arith.constant 0 : index
    %swap3A_49 = arith.constant 0 : index
    %swap3A_50 = vector.load %arg8[%swap3A, %swap3A_49] : memref<10000x1xf32, #tpu.memory_space<vmem>>, vector<10000x1xf32>
    tpu.vector_store %arg8[%swap3A, %swap3A_49], %add3A_48 {strides = array<i32>} : memref<10000x1xf32, #tpu.memory_space<vmem>>, vector<10000x1xf32>,
    return
  }
}

</mosaic_0001>

<sc_bundles>
// kernel: kernel.11.cloned.1.call-start
scs
__scs_entry_jumppad:
0x0: {  	(pc) =	sbr.rel $0x88, $3  }
0x1: {  	(tag) =	ssettag $0x0;
	lr =	simm.s32 $0x1  }
0x2: {  	[smem:$0x3F97] =	sst lr;
	_ =	strace $0xD0000000  }
0x3: {  	_ = 	snop  }
0x4: {  	_ = 	snop  }
0x5: {  	_ = 	snop  }
0x6: {  	_ = 	snop  }
0x7: {  	_ = 	snop  }
__scs_overlays_trampoline_lowered:
0x8: {  	[smem:$0x3FA6] =	sst s0  }
0x9: {  	[smem:$0x3FA7] =	sst s1  }
0xa: {  	[smem:$0x3FA8] =	sst s2  }
0xb: {  	[smem:$0x3FA9] =	sst s3  }
0xc: {  	[smem:$0x3FAA] =	sst s4  }
0xd: {  	[smem:$0x3FAB] =	sst s5  }
0xe: {  	[smem:$0x3FAC] =	sst s6  }
0xf: {  	[smem:$0x3FAD] =	sst s7  }
0x10: {  	[smem:$0x3FAE] =	sst s8  }
0x11: {  	[smem:$0x3FAF] =	sst s9;
	s0 =	simm.s32 @!p0 $0x0  }
0x12: {  	s1 =	sld [smem:$0x3F95];
	s0 =	simm.s32 @p0 $0x1  }
0x13: {  	[smem:$0x3FB0] =	sst s0;
	s0 =	simm.s32 @!p1 $0x0  }
0x14: {  	s2 =	sld [smem:$0x3F94];
	s0 =	simm.s32 @p1 $0x1  }
0x15: {  	[smem:$0x3FB1] =	sst s0;
	s0 =	simm.s32 @!p2 $0x0  }
0x16: {  	s3 =	sld [smem:$0x3FDB];
	s0 =	simm.s32 @p2 $0x1  }
0x17: {  	s4 =	simm.s32 $0x1BF5;
	[smem:$0x3FB3] =	sst s0  }
0x18: {  	s0 =	sld [smem:$0x3F96];
	_ =	swait.ge [sflag:s4], $0x0  }
0x19: {  	s7 =	sld [smem:$0x3F97]  }
0x1a: {  	s8 =	sadd.s32 $0xFFFFE003, lr  }
0x1b: {  	s9 =	sadd.s32 $0xFFFFFEF7, lr;
	s5 =	simm.s32 $0xFFFFFFFF;
	p2 =	slt.u32 s8, $0xFFFFF086  }
0x1c: {  	p1 =	slt.u32 s9, $0xF7A;
	s5 =	simm.s32 @!p2 $0x0  }
0x1d: {  	s5 =	simm.s32 @p1 $0x1;
	p0 =	seq.s32 s7, s2  }
0x1e: {  	s7 =	smul.u32 @!p0 $0xF7A, s2;
	p2 =	seq.s32 @!p0 s5, $0x0  }
0x1f: {  	s9 =	smul.u32 $0xF7A, s1;
	s8 =	simm.s32 @!p0 $0x1BF5;
	p2 =	por !p2, p0  }
0x20: {  	[sflag:s8] =	ssyncset.s32 @!p0 $0xFFFFF086;
	s6 =	sadd.s32 @!p0 s3, s7;
	s7 =	simm.s32 @!p0 $0x108  }
0x21: {  	s3 =	sadd.s32 s3, s9;
	s6 =	sadd.s32 @!p0 $0x88, s6;
	s7 =	simm.s32 @p2 $0x1082  }
0x22: {  	[simem:s7], [sflag:s8] =	dma.local @!p0 [hbm:s6], $0xF7A  }
0x23: {  	s9 =	sor.u32 $0xD0000000, s2;
	s6 =	simm.s32 $0x108;
	_ =	swait.ge @!p0 [sflag:s8], $0x0  }
0x24: {  	s3 =	sadd.s32 $0x88, s3;
	s6 =	simm.s32 @!p1 $0x1082;
	[sflag:s4] =	ssyncset.s32 $0xFFFFF086  }
0x25: {  	[simem:s6], [sflag:s4] =	dma.local [hbm:s3], $0xF7A  }
0x26: {  	[smem:$0x3F97] =	sst s1;
	(tag) =	ssettag s2;
	_ =	strace s9  }
0x27: {  	s1 =	sld [smem:$0x3FA7]  }
0x28: {  	s2 =	sld [smem:$0x3FA8]  }
0x29: {  	s4 =	sld [smem:$0x3FAA]  }
0x2a: {  	p0 =	seq.s32 s5, $0x0;
	s5 =	sld [smem:$0x3FAB]  }
0x2b: {  	s6 =	sld [smem:$0x3FAC]  }
0x2c: {  	s7 =	sld [smem:$0x3FAD]  }
0x2d: {  	s3 =	simm.s32 $0x108;
	s8 =	sld [smem:$0x3FAE]  }
0x2e: {  	s3 =	simm.s32 @!p0 $0x1082;
	s9 =	sld [smem:$0x3FAF]  }
0x2f: {  	lr =	sadd.s32 s0, s3;
	s0 =	sld [smem:$0x3FA6]  }
0x30: {  	s3 =	sld [smem:$0x3FA9]  }
0x31: {  	[smem:$0x3FB2] =	sst s10  }
0x32: {  	s10 =	sld [smem:$0x3FB0];
	_ =	sdelay $0x3  }
0x33: {  	p0 =	seq.s32 s10, $0x1;
	s10 =	sld [smem:$0x3FB2];
	_ =	sdelay $0x3  }
0x34: {  	[smem:$0x3FB2] =	sst s10  }
0x35: {  	s10 =	sld [smem:$0x3FB1];
	_ =	sdelay $0x3  }
0x36: {  	p1 =	seq.s32 s10, $0x1;
	s10 =	sld [smem:$0x3FB2];
	_ =	sdelay $0x3  }
0x37: {  	[smem:$0x3FB2] =	sst s10  }
0x38: {  	s10 =	sld [smem:$0x3FB3]  }
0x39: {  	_ = 	snop;
	(pc) =	sbr.ind lr, $3  }
0x3a: {  	_ = 	snop  }
0x3b: {  	_ = 	snop  }
0x3c: {  	p2 =	seq.s32 s10, $0x1;
	s10 =	sld [smem:$0x3FB2]  }
0x3d: {  	_ =	shalt  }
0x3e: {  	_ =	shalt  }
0x3f: {  	_ =	shalt  }
0x40: {  	_ =	shalt  }
0x41: {  	_ =	shalt  }
0x42: {  	_ =	shalt  }
0x43: {  	_ =	shalt  }
0x44: {  	_ =	shalt  }
0x45: {  	_ =	shalt  }
0x46: {  	_ =	shalt  }
0x47: {  	_ =	shalt  }
0x48: {  	_ =	shalt  }
0x49: {  	_ =	shalt  }
0x4a: {  	_ =	shalt  }
0x4b: {  	_ =	shalt  }
0x4c: {  	_ =	shalt  }
0x4d: {  	_ =	shalt  }
0x4e: {  	_ =	shalt  }
0x4f: {  	_ =	shalt  }
0x50: {  	_ =	shalt  }
0x51: {  	_ =	shalt  }
0x52: {  	_ =	shalt  }
0x53: {  	_ =	shalt  }
0x54: {  	_ =	shalt  }
0x55: {  	_ =	shalt  }
0x56: {  	_ =	shalt  }
0x57: {  	_ =	shalt  }
0x58: {  	_ =	shalt  }
0x59: {  	_ =	shalt  }
0x5a: {  	_ =	shalt  }
0x5b: {  	_ =	shalt  }
0x5c: {  	_ =	shalt  }
0x5d: {  	_ =	shalt  }
0x5e: {  	_ =	shalt  }
0x5f: {  	_ =	shalt  }
0x60: {  	_ =	shalt  }
0x61: {  	_ =	shalt  }
0x62: {  	_ =	shalt  }
0x63: {  	_ =	shalt  }
0x64: {  	_ =	shalt  }
0x65: {  	_ =	shalt  }
0x66: {  	_ =	shalt  }
0x67: {  	_ =	shalt  }
0x68: {  	_ =	shalt  }
0x69: {  	_ =	shalt  }
0x6a: {  	_ =	shalt  }
0x6b: {  	_ =	shalt  }
0x6c: {  	_ =	shalt  }
0x6d: {  	_ =	shalt  }
0x6e: {  	_ =	shalt  }
0x6f: {  	_ =	shalt  }
0x70: {  	_ =	shalt  }
0x71: {  	_ =	shalt  }
0x72: {  	_ =	shalt  }
0x73: {  	_ =	shalt  }
0x74: {  	_ =	shalt  }
0x75: {  	_ =	shalt  }
0x76: {  	_ =	shalt  }
0x77: {  	_ =	shalt  }
0x78: {  	_ =	shalt  }
0x79: {  	_ =	shalt  }
0x7a: {  	_ =	shalt  }
0x7b: {  	_ =	shalt  }
0x7c: {  	_ =	shalt  }
0x7d: {  	_ =	shalt  }
0x7e: {  	_ =	shalt  }
0x7f: {  	_ =	shalt  }
0x80: {  	_ =	shalt  }
0x81: {  	_ =	shalt  }
0x82: {  	_ =	shalt  }
0x83: {  	_ =	shalt  }
0x84: {  	_ =	shalt  }
0x85: {  	_ =	shalt  }
0x86: {  	_ =	shalt  }
0x87: {  	_ =	shalt  }
.Lfunc_end0:
.L_simem_size_0:
called_computation.1_lowered:
.L_overlay_start_0:
0x88: {  	s2 =	sld [smem:$0x3FD9]  }
0x89: {  	s3 =	sld [smem:$0x3FFE];
	_ =	sdelay $0x1  }
0x8a: {  	s1 =	srdreg.scid  }
0x8b: {  	s0 =	sand.u32 $0x1, s1  }
0x8c: {  	s16 =	sshll.u32 s0, $0xA;
	s2 =	sadd.s32 s3, s2  }
0x8d: {  	s2 =	sadd.s32 s2, s16  }
0x8e: {  	[smem:$0x3FBE] =	sst s2  }
0x8f: {  	_ = 	snop  }
0x90: {  	(tm) =	ssettm $0x1  }
0x91: {  	s17 =	sld [smem:$0x3FFB];
	_ =	sdelay $0x3  }
0x92: {  	_ =	strace s17  }
0x93: {  	s2 =	sld [smem:$0x3FFC];
	_ =	sdelay $0x3  }
0x94: {  	_ =	strace s2  }
0x95: {  	s2 =	sld [smem:$0x3FFD];
	_ =	sdelay $0x3  }
0x96: {  	_ =	strace s2  }
0x97: {  	_ =	strace $0x8FFFFFFF  }
0x98: {  	s18 =	sld [smem:$0x3FDB];
	_ =	sdelay $0x1  }
0x99: {  	s19 =	simm.s32 $_scs_section_size  }
0x9a: {  	s4 =	simm.s32 $_size__tile_overlayer_lowered;
	s5 =	simm.s32 $_tile_overlayer_lowered  }
0x9b: {  	s22 =	simm.s32 $0x1BFF;
	s21 =	sshll.u32 s5, $0x1;
	s2 =	sadd.s32 s19, s18  }
0x9c: {  	s6 =	simm.s32 $0x0;
	s20 =	sshll.u32 s4, $0x1;
	s4 =	sadd.s32 s21, s2  }
0x9d: {  	[timem:s6], [sflag:s22] =	dma.local [hbm:s4], s20  }
0x9e: {  	_ =	swait.ge [sflag:s22], s20  }
0x9f: {  	s3 =	ssub.s32 $0x0, s20;
	[sflag:s22] =	ssyncset.done $0x0  }
0xa0: {  	[sflag:s22] =	ssyncadd.s32 s3;
	_ =	sdelay $0x1  }
0xa1: {  	s23 =	simm.s32 $0x1B8B  }
0xa2: {  	_ =	swait.ge [sflag:s23], $0x1  }
0xa3: {  	[sflag:s23] =	ssyncset.done $0x0  }
0xa4: {  	s25 =	simm.s32 $0x1B8E;
	s24 =	sld [smem:$0x3FFE];
	[sflag:s23] =	ssyncadd.s32 $0xFFFFFFFF  }
0xa5: {  	s26 =	simm.s32 $execute0_lowered;
	[smem:$0x3FD2] =	sst s25  }
0xa6: {  	s4 =	sshll.u32 s26, $0x1;
	_ =	strace $0x80000049;
	[dreg:$0x1] =	wrdreg $0xFFFFFFFF  }
0xa7: {  	s28 =	simm.s32 $_size_execute0_lowered;
	s2 =	sadd.s32 s2, s4;
	[dreg:$0x0] =	wrdreg $0x0  }
0xa8: {  	s4 =	sshll.u32 s28, $0x1;
	[dreg:$0x2] =	wrdreg s2  }
0xa9: {  	[dreg:$0x3] =	wrdreg s4  }
0xaa: {  	[dreg:$0x4] =	wrdreg $0xC0  }
0xab: {  	_ =	task [dreg:s6], $0x5FFFF  }
0xac: {  	[dreg:$0x1] =	wrdreg $0xFFFFFFFF  }
0xad: {  	[dreg:$0x0] =	wrdreg $0x60  }
0xae: {  	[dreg:$0x2] =	wrdreg s24  }
0xaf: {  	[dreg:$0x3] =	wrdreg $0xC7400  }
0xb0: {  	[dreg:$0x4] =	wrdreg $0x9  }
0xb1: {  	_ =	task.clear_ibuf [dreg:s6], $0x5FFFF;
	_ =	strace $0x90000049  }
0xb2: {  	s29 =	simm.s32 $0x9;
	_ =	strace $0x8000004B  }
0xb3: {  	_ =	swait.ge [sflag:s29], $0x1  }
0xb4: {  	[sflag:s29] =	ssyncadd.s32 $0xFFFFFFFF  }
0xb5: {  	_ =	strace $0x9000004B  }
0xb6: {  	_ =	sfence  }
0xb7: {  	s30 =	sld [smem:$0x0];
	_ =	sdelay $0x2  }
0xb8: {  	s31 =	sshll.u32 s1, $0xD;
	s1 =	sshrl.u32 s1, $0x2  }
0xb9: {  	s3 =	sand.u32 $0x4000, s31;
	s1 =	sadd.s32 s1, s30  }
0xba: {  	s0 =	sor.u32 s3, s0;
	s1 =	sshll.u32 s1, $0x11  }
0xbb: {  	s0 =	sor.u32 s1, s0  }
0xbc: {  	s0 =	sadd.s32 $0x8F2B, s0  }
0xbd: {  	[sflag:s0] =	ssyncadd.remote.s32 $0x1  }
0xbe: {  	_ =	sfence.sel $0xFFFF  }
0xbf: {  	[dreg:$0x0] =	wrdreg $0xFFFFFFFF;
	(pc) =	sbr.abs _section_cstart, $3  }
0xc0: {  	[dreg:$0x1] =	wrdreg $0xFFFFFFFF  }
0xc1: {  	_ =	task.clear_ibuf [dreg:s6], $0x2FFFF;
	_ =	strace $0x9FFFFFFF  }
0xc2: {  	(tm) =	ssettm $0x7FFFFFFF  }
0xc3: {  	_ =	shalt  }
tec
execute0_lowered:
.L_overlay_start_1:
0x0: {  	(tag) =	ssettag $0x1  }
0x1: {  	s5 =	rddreg [dreg:$0x0]  }
0x2: {  	s1 =	rddreg [dreg:$0x1];
	s2 =	srdreg.scid  }
0x3: {  	s0 =	rddreg [dreg:$0x2];
	s3 =	simm.s32 $0x0;
	s15 =	simm.s32 $0x80  }
0x4: {  	s16 =	simm.s32 $0x140;
	s17 =	simm.s32 $0x1;
	s6 =	sand.u32 $0x1, s2  }
0x5: {  	s18 =	simm.s32 $0x100;
	s2 =	stileid.u32;
	s4 =	smul.u32 $0x13880, s6  }
0x6: {  	s19 =	simm.s32 $0x120;
	s20 =	simm.s32 $0x20;
	s7 =	smul.u32 $0x13C0, s2  }
0x7: {  	s21 =	simm.s32 $0x2140;
	s22 =	simm.s32 $0x0;
	s8 =	smul.u32 $0x13C00, s6  }
0x8: {  	[smem:$0x7FF] =	sst s3;
	s12 =	sadd.s32 $0x1000, s5;
	s10 =	smul.u32 $0x27800, s2  }
0x9: {  	s11 =	sadd.s32 $0xAE00, s5;
	s28 =	smul.u32 $0x4E20, s2;
	s29 =	ssub.s32 $0x2, s6  }
0xa: {  	_ =	strace $0x8000004A;
	s14 =	smul.u32 $0x9C4, s2;
	s6 =	sshrl.u32 s29, $0x1  }
0xb: {  	s9 =	sadd.s32 s4, s5;
	s7 =	sadd.s32 s7, s8;
	s4 =	sadd.s32 $0xB1200, s5  }
0xc: {  	s30 =	sshrl.u32 s10, $0x2;
	s8 =	sshrl.u32 s28, $0x3;
	s31 =	ssub.s32 s29, s6  }
0xd: {  	s13 =	sadd.s32 s7, s5;
	s5 =	sadd.s32 s30, s1;
	s8 =	sadd.s32 $0x9C0, s8  }
0xe: {  	s6 =	sadd.s32 $0x8A000, s9;
	s10 =	smax.u32 s31, $0x1;
	s7 =	sadd.s32 s12, s8  }
0xf: {  	s8 =	sadd.s32 s11, s8;
	s9 =	sadd.s32 $0xB2600, s13;
	s11 =	sadd.s32 s14, s11  }
0x10: {  	s12 =	sadd.s32 s14, s12;
	s13 =	simm.s32 $0x2940;
	s14 =	simm.s32 $0x2  }
.LBB2_1:
0x11: {  	[tilespmem:s13], [sflag:$0x2] =	stream.linear.gather [hbm4b:s4+s3], $0x9E00, $0x38;
	[tilespmem:$0x16540] =	vst v63  }
0x12: {  	_ =	swait.ge [sflag:s14], $0x9E00  }
0x13: {  	[sflag:s14] =	ssyncset.done $0x0  }
0x14: {  	[sflag:s14] =	ssyncadd.s32 $0xFFFF6200  }
0x15: {  	[spmem:s5] =	stream.linear.scatter [tilespmem:s13], [sflag:$0x2], $0x9E00, $0x38;
	[tilespmem:$0x16540] =	vst v63  }
0x16: {  	_ =	swait.ge [sflag:s14], $0x9E00  }
0x17: {  	[sflag:s14] =	ssyncset.done $0x0  }
0x18: {  	[sflag:s14] =	ssyncadd.s32 $0xFFFF6200  }
0x19: {  	s23 =	sadd.s32 $0x0, s12;
	[bflag:$0x0] =	sbarrier.arrive $0xFFFF  }
0x1a: {  	[tilespmem:s3], [sflag:$0x2] =	stream.linear.gather [hbm4b:s23+s3], $0x80, $0x38;
	[tilespmem:$0x16540] =	vst v63  }
0x1b: {  	_ =	swait.ge [sflag:s14], $0x80  }
0x1c: {  	[sflag:s14] =	ssyncset.done $0x0  }
0x1d: {  	s31 =	sadd.s32 $0x0, s11;
	[sflag:s14] =	ssyncadd.s32 $0xFFFFFF80  }
0x1e: {  	[tilespmem:s15], [sflag:$0x2] =	stream.linear.gather [hbm4b:s31+s3], $0x80, $0x38;
	[tilespmem:$0x16540] =	vst v63  }
0x1f: {  	_ =	swait.ge [sflag:s14], $0x80  }
0x20: {  	[sflag:s14] =	ssyncset.done $0x0  }
0x21: {  	[sflag:s14] =	ssyncadd.s32 $0xFFFFFF80  }
0x22: {  	[tilespmem:s16], [sflag:$0x1] =	stream.indirect.gather [hbm4b:s6+s15], $0x40, s3, s15, $0xb8;
	[tilespmem:$0x16540] =	vst v63  }
0x23: {  	_ =	swait.ge [sflag:s17], $0x2000  }
0x24: {  	[sflag:s17] =	ssyncset.done $0x0  }
0x25: {  	[sflag:s17] =	ssyncadd.s32 $0xFFFFE000  }
0x26: {  	[spmem:s1] =	stream.indirect.scatter.add.f32 [tilespmem:s16], [sflag:$0x2], $0x40, s15, s15, $0xb8;
	[tilespmem:$0x16540] =	vst v63  }
0x27: {  	_ =	swait.ge [sflag:s14], $0x2000  }
0x28: {  	s24 =	simm.s32 $0x20;
	s23 =	simm.s32 $0x10;
	[sflag:s14] =	ssyncset.done $0x0  }
.LBB2_2:
0x29: {  	s25 =	sadd.s32 s23, s12  }
0x2a: {  	[sflag:s14] =	ssyncadd.s32 $0xFFFFE000;
	s26 =	smov.u32 s24;
	s28 =	sadd.s32 $0x10, s24  }
0x2b: {  	[tilespmem:s3], [sflag:$0x2] =	stream.linear.gather [hbm4b:s25+s3], $0x80, $0x38;
	[tilespmem:$0x16540] =	vst v63  }
0x2c: {  	p0 =	sne.s32 s24, $0x9B0;
	_ =	swait.ge [sflag:s14], $0x80  }
0x2d: {  	[sflag:s14] =	ssyncset.done $0x0  }
0x2e: {  	s24 =	sadd.s32 s23, s11;
	s23 =	smov.u32 s26;
	[sflag:s14] =	ssyncadd.s32 $0xFFFFFF80  }
0x2f: {  	[tilespmem:s15], [sflag:$0x2] =	stream.linear.gather [hbm4b:s24+s3], $0x80, $0x38;
	[tilespmem:$0x16540] =	vst v63  }
0x30: {  	_ =	swait.ge [sflag:s14], $0x80  }
0x31: {  	[sflag:s14] =	ssyncset.done $0x0  }
0x32: {  	[sflag:s14] =	ssyncadd.s32 $0xFFFFFF80  }
0x33: {  	[tilespmem:s16], [sflag:$0x1] =	stream.indirect.gather [hbm4b:s6+s15], $0x40, s3, s15, $0xb8;
	[tilespmem:$0x16540] =	vst v63  }
0x34: {  	_ =	swait.ge [sflag:s17], $0x2000  }
.Ltmp0:
0x35: {  	[sflag:s17] =	ssyncset.done $0x0;
	(pc) =	sbr.rel @p0 .LBB2_2-.Ltmp0, $4  }
0x36: {  	[sflag:s17] =	ssyncadd.s32 $0xFFFFE000  }
0x37: {  	[spmem:s1] =	stream.indirect.scatter.add.f32 [tilespmem:s16], [sflag:$0x2], $0x40, s15, s15, $0xb8;
	[tilespmem:$0x16540] =	vst v63  }
0x38: {  	_ =	swait.ge [sflag:s14], $0x2000  }
0x39: {  	s24 =	smov.u32 s28;
	[sflag:s14] =	ssyncset.done $0x0  }
0x3a: {  	s24 =	sadd.s32 s23, s12;
	[sflag:s14] =	ssyncadd.s32 $0xFFFFE000  }
0x3b: {  	[tilespmem:s3], [sflag:$0x2] =	stream.linear.gather [hbm4b:s24+s3], $0x80, $0x38;
	[tilespmem:$0x16540] =	vst v63  }
0x3c: {  	_ =	swait.ge [sflag:s14], $0x80  }
0x3d: {  	[sflag:s14] =	ssyncset.done $0x0  }
0x3e: {  	s31 =	sadd.s32 s23, s11;
	[sflag:s14] =	ssyncadd.s32 $0xFFFFFF80  }
0x3f: {  	[tilespmem:s15], [sflag:$0x2] =	stream.linear.gather [hbm4b:s31+s3], $0x80, $0x38;
	[tilespmem:$0x16540] =	vst v63  }
0x40: {  	_ =	swait.ge [sflag:s14], $0x80  }
0x41: {  	[sflag:s14] =	ssyncset.done $0x0  }
0x42: {  	[sflag:s14] =	ssyncadd.s32 $0xFFFFFF80  }
0x43: {  	[tilespmem:s16], [sflag:$0x1] =	stream.indirect.gather [hbm4b:s6+s15], $0x40, s3, s15, $0xb8;
	[tilespmem:$0x16540] =	vst v63  }
0x44: {  	_ =	swait.ge [sflag:s17], $0x2000  }
0x45: {  	[sflag:s17] =	ssyncset.done $0x0  }
0x46: {  	[sflag:s17] =	ssyncadd.s32 $0xFFFFE000  }
0x47: {  	[spmem:s1] =	stream.indirect.scatter.add.f32 [tilespmem:s16], [sflag:$0x2], $0x40, s15, s15, $0xb8;
	[tilespmem:$0x16540] =	vst v63  }
0x48: {  	_ =	swait.ge [sflag:s14], $0x2000  }
0x49: {  	[sflag:s14] =	ssyncset.done $0x0  }
0x4a: {  	[sflag:s14] =	ssyncadd.s32 $0xFFFFE000  }
0x4b: {  	[tilespmem:s18], [sflag:$0x2] =	stream.linear.gather [hbm4b:s7+s3], $0x20, $0x38;
	[tilespmem:$0x16540] =	vst v63  }
0x4c: {  	_ =	swait.ge [sflag:s14], $0x20  }
0x4d: {  	[sflag:s14] =	ssyncset.done $0x0  }
0x4e: {  	[sflag:s14] =	ssyncadd.s32 $0xFFFFFFE0  }
0x4f: {  	[tilespmem:s19], [sflag:$0x2] =	stream.linear.gather [hbm4b:s8+s3], $0x20, $0x38;
	[tilespmem:$0x16540] =	vst v63  }
0x50: {  	_ =	swait.ge [sflag:s14], $0x20  }
0x51: {  	[sflag:s14] =	ssyncset.done $0x0  }
0x52: {  	[sflag:s14] =	ssyncadd.s32 $0xFFFFFFE0  }
0x53: {  	[tilespmem:s21], [sflag:$0x1] =	stream.indirect.gather [hbm4b:s6+s20], $0x40, s18, s20, $0xb8;
	[tilespmem:$0x16540] =	vst v63  }
0x54: {  	_ =	swait.ge [sflag:s17], $0x800  }
0x55: {  	[sflag:s17] =	ssyncset.done $0x0  }
0x56: {  	[sflag:s17] =	ssyncadd.s32 $0xFFFFF800  }
0x57: {  	[spmem:s1] =	stream.indirect.scatter.add.f32 [tilespmem:s21], [sflag:$0x2], $0x40, s19, s20, $0xb8;
	[tilespmem:$0x16540] =	vst v63  }
0x58: {  	_ =	swait.ge [sflag:s14], $0x800  }
0x59: {  	[sflag:s14] =	ssyncset.done $0x0  }
0x5a: {  	[sflag:s14] =	ssyncadd.s32 $0xFFFFF800  }
0x5b: {  	[bflag:$0x0] =	sbarrier.arrive $0xFFFF  }
0x5c: {  	[tilespmem:s13], [sflag:$0x2] =	stream.linear.gather [spmem:s5], $0x9E00, $0x38;
	[tilespmem:$0x16540] =	vst v63  }
0x5d: {  	s22 =	sadd.s32 $0x1, s22;
	_ =	swait.ge [sflag:s14], $0x9E00  }
0x5e: {  	p0 =	sne.s32 s22, s10;
	[sflag:s14] =	ssyncset.done $0x0  }
.Ltmp1:
0x5f: {  	[sflag:s14] =	ssyncadd.s32 $0xFFFF6200;
	(pc) =	sbr.rel @p0 .LBB2_1-.Ltmp1, $4  }
0x60: {  	[hbm4b:s9+s3] =	stream.linear.scatter [tilespmem:s13], [sflag:$0x2], $0x9E00, $0x38;
	[tilespmem:$0x16540] =	vst v63  }
0x61: {  	_ =	swait.ge [sflag:s14], $0x9E00  }
0x62: {  	[sflag:s14] =	ssyncset.done $0x0  }
0x63: {  	[sflag:s14] =	ssyncadd.s32 $0xFFFF6200  }
0x64: {  	_ =	sfence.sel $0x180000  }
0x65: {  	[bflag:$0x0] =	sbarrier.arrive $0xFFFF  }
0x66: {  	p0 =	sne.s32 s2, $0x0;
	_ =	strace $0x9000004A  }
0x67: {  	s0 =	sadd.s32 @!p0 $0x100000, s0;
	[bflag:$0x2] =	sbarrier.arrive $0xFFFF  }
0x68: {  	[sflag:s0] =	ssyncadd.tile.s32 @!p0 $0x1;
	_ =	shalt  }
.Lfunc_end2:
_tile_overlayer_lowered:
.L_overlay_start_2:
0x69: {  	(tag) =	ssettag $0x2  }
0x6a: {  	s0 =	rddreg [dreg:$0x0];
	s2 =	stileid.u32  }
0x6b: {  	s1 =	rddreg [dreg:$0x1];
	p0 =	sne.s32 s2, $0x0  }
0x6c: {  	s3 =	rddreg [dreg:$0x2];
	[bflag:$0x3] =	sbarrier.arrive $0xFFFF;
	s2 =	simm.s32 @!p0 $0x1C02  }
0x6d: {  	[timem:s3], [sflag:s2] =	dma.local @!p0 [hbm:s0], s1  }
0x6e: {  	s0 =	simm.s32 @!p0 $0x2  }
0x6f: {  	_ =	swait.ge @!p0 [sflag:s0], s1  }
0x70: {  	s1 =	ssub.s32 @!p0 $0x0, s1;
	[sflag:s0] =	ssyncset.done @!p0 $0x0  }
0x71: {  	[sflag:s0] =	ssyncadd.s32 @!p0 s1  }
0x72: {  	[bflag:$0x3] =	sbarrier.arrive $0xFFFF  }
0x73: {  	_ =	shalt  }

// kernel: kernel.14.cloned.1.call-start
scs
__scs_entry_jumppad:
0x0: {  	(pc) =	sbr.rel $0x88, $3  }
0x1: {  	(tag) =	ssettag $0x0;
	lr =	simm.s32 $0x1  }
0x2: {  	[smem:$0x3F97] =	sst lr;
	_ =	strace $0xD0000000  }
0x3: {  	_ = 	snop  }
0x4: {  	_ = 	snop  }
0x5: {  	_ = 	snop  }
0x6: {  	_ = 	snop  }
0x7: {  	_ = 	snop  }
__scs_overlays_trampoline_lowered:
0x8: {  	[smem:$0x3FA6] =	sst s0  }
0x9: {  	[smem:$0x3FA7] =	sst s1  }
0xa: {  	[smem:$0x3FA8] =	sst s2  }
0xb: {  	[smem:$0x3FA9] =	sst s3  }
0xc: {  	[smem:$0x3FAA] =	sst s4  }
0xd: {  	[smem:$0x3FAB] =	sst s5  }
0xe: {  	[smem:$0x3FAC] =	sst s6  }
0xf: {  	[smem:$0x3FAD] =	sst s7  }
0x10: {  	[smem:$0x3FAE] =	sst s8  }
0x11: {  	[smem:$0x3FAF] =	sst s9;
	s0 =	simm.s32 @!p0 $0x0  }
0x12: {  	s1 =	sld [smem:$0x3F95];
	s0 =	simm.s32 @p0 $0x1  }
0x13: {  	[smem:$0x3FB0] =	sst s0;
	s0 =	simm.s32 @!p1 $0x0  }
0x14: {  	s2 =	sld [smem:$0x3F94];
	s0 =	simm.s32 @p1 $0x1  }
0x15: {  	[smem:$0x3FB1] =	sst s0;
	s0 =	simm.s32 @!p2 $0x0  }
0x16: {  	s3 =	sld [smem:$0x3FDB];
	s0 =	simm.s32 @p2 $0x1  }
0x17: {  	s4 =	simm.s32 $0x1BF5;
	[smem:$0x3FB3] =	sst s0  }
0x18: {  	s0 =	sld [smem:$0x3F96];
	_ =	swait.ge [sflag:s4], $0x0  }
0x19: {  	s7 =	sld [smem:$0x3F97]  }
0x1a: {  	s8 =	sadd.s32 $0xFFFFE003, lr  }
0x1b: {  	s9 =	sadd.s32 $0xFFFFFEF7, lr;
	s5 =	simm.s32 $0xFFFFFFFF;
	p2 =	slt.u32 s8, $0xFFFFF086  }
0x1c: {  	p1 =	slt.u32 s9, $0xF7A;
	s5 =	simm.s32 @!p2 $0x0  }
0x1d: {  	s5 =	simm.s32 @p1 $0x1;
	p0 =	seq.s32 s7, s2  }
0x1e: {  	s7 =	smul.u32 @!p0 $0xF7A, s2;
	p2 =	seq.s32 @!p0 s5, $0x0  }
0x1f: {  	s9 =	smul.u32 $0xF7A, s1;
	s8 =	simm.s32 @!p0 $0x1BF5;
	p2 =	por !p2, p0  }
0x20: {  	[sflag:s8] =	ssyncset.s32 @!p0 $0xFFFFF086;
	s6 =	sadd.s32 @!p0 s3, s7;
	s7 =	simm.s32 @!p0 $0x108  }
0x21: {  	s3 =	sadd.s32 s3, s9;
	s6 =	sadd.s32 @!p0 $0x88, s6;
	s7 =	simm.s32 @p2 $0x1082  }
0x22: {  	[simem:s7], [sflag:s8] =	dma.local @!p0 [hbm:s6], $0xF7A  }
0x23: {  	s9 =	sor.u32 $0xD0000000, s2;
	s6 =	simm.s32 $0x108;
	_ =	swait.ge @!p0 [sflag:s8], $0x0  }
0x24: {  	s3 =	sadd.s32 $0x88, s3;
	s6 =	simm.s32 @!p1 $0x1082;
	[sflag:s4] =	ssyncset.s32 $0xFFFFF086  }
0x25: {  	[simem:s6], [sflag:s4] =	dma.local [hbm:s3], $0xF7A  }
0x26: {  	[smem:$0x3F97] =	sst s1;
	(tag) =	ssettag s2;
	_ =	strace s9  }
0x27: {  	s1 =	sld [smem:$0x3FA7]  }
0x28: {  	s2 =	sld [smem:$0x3FA8]  }
0x29: {  	s4 =	sld [smem:$0x3FAA]  }
0x2a: {  	p0 =	seq.s32 s5, $0x0;
	s5 =	sld [smem:$0x3FAB]  }
0x2b: {  	s6 =	sld [smem:$0x3FAC]  }
0x2c: {  	s7 =	sld [smem:$0x3FAD]  }
0x2d: {  	s3 =	simm.s32 $0x108;
	s8 =	sld [smem:$0x3FAE]  }
0x2e: {  	s3 =	simm.s32 @!p0 $0x1082;
	s9 =	sld [smem:$0x3FAF]  }
0x2f: {  	lr =	sadd.s32 s0, s3;
	s0 =	sld [smem:$0x3FA6]  }
0x30: {  	s3 =	sld [smem:$0x3FA9]  }
0x31: {  	[smem:$0x3FB2] =	sst s10  }
0x32: {  	s10 =	sld [smem:$0x3FB0];
	_ =	sdelay $0x3  }
0x33: {  	p0 =	seq.s32 s10, $0x1;
	s10 =	sld [smem:$0x3FB2];
	_ =	sdelay $0x3  }
0x34: {  	[smem:$0x3FB2] =	sst s10  }
0x35: {  	s10 =	sld [smem:$0x3FB1];
	_ =	sdelay $0x3  }
0x36: {  	p1 =	seq.s32 s10, $0x1;
	s10 =	sld [smem:$0x3FB2];
	_ =	sdelay $0x3  }
0x37: {  	[smem:$0x3FB2] =	sst s10  }
0x38: {  	s10 =	sld [smem:$0x3FB3]  }
0x39: {  	_ = 	snop;
	(pc) =	sbr.ind lr, $3  }
0x3a: {  	_ = 	snop  }
0x3b: {  	_ = 	snop  }
0x3c: {  	p2 =	seq.s32 s10, $0x1;
	s10 =	sld [smem:$0x3FB2]  }
0x3d: {  	_ =	shalt  }
0x3e: {  	_ =	shalt  }
0x3f: {  	_ =	shalt  }
0x40: {  	_ =	shalt  }
0x41: {  	_ =	shalt  }
0x42: {  	_ =	shalt  }
0x43: {  	_ =	shalt  }
0x44: {  	_ =	shalt  }
0x45: {  	_ =	shalt  }
0x46: {  	_ =	shalt  }
0x47: {  	_ =	shalt  }
0x48: {  	_ =	shalt  }
0x49: {  	_ =	shalt  }
0x4a: {  	_ =	shalt  }
0x4b: {  	_ =	shalt  }
0x4c: {  	_ =	shalt  }
0x4d: {  	_ =	shalt  }
0x4e: {  	_ =	shalt  }
0x4f: {  	_ =	shalt  }
0x50: {  	_ =	shalt  }
0x51: {  	_ =	shalt  }
0x52: {  	_ =	shalt  }
0x53: {  	_ =	shalt  }
0x54: {  	_ =	shalt  }
0x55: {  	_ =	shalt  }
0x56: {  	_ =	shalt  }
0x57: {  	_ =	shalt  }
0x58: {  	_ =	shalt  }
0x59: {  	_ =	shalt  }
0x5a: {  	_ =	shalt  }
0x5b: {  	_ =	shalt  }
0x5c: {  	_ =	shalt  }
0x5d: {  	_ =	shalt  }
0x5e: {  	_ =	shalt  }
0x5f: {  	_ =	shalt  }
0x60: {  	_ =	shalt  }
0x61: {  	_ =	shalt  }
0x62: {  	_ =	shalt  }
0x63: {  	_ =	shalt  }
0x64: {  	_ =	shalt  }
0x65: {  	_ =	shalt  }
0x66: {  	_ =	shalt  }
0x67: {  	_ =	shalt  }
0x68: {  	_ =	shalt  }
0x69: {  	_ =	shalt  }
0x6a: {  	_ =	shalt  }
0x6b: {  	_ =	shalt  }
0x6c: {  	_ =	shalt  }
0x6d: {  	_ =	shalt  }
0x6e: {  	_ =	shalt  }
0x6f: {  	_ =	shalt  }
0x70: {  	_ =	shalt  }
0x71: {  	_ =	shalt  }
0x72: {  	_ =	shalt  }
0x73: {  	_ =	shalt  }
0x74: {  	_ =	shalt  }
0x75: {  	_ =	shalt  }
0x76: {  	_ =	shalt  }
0x77: {  	_ =	shalt  }
0x78: {  	_ =	shalt  }
0x79: {  	_ =	shalt  }
0x7a: {  	_ =	shalt  }
0x7b: {  	_ =	shalt  }
0x7c: {  	_ =	shalt  }
0x7d: {  	_ =	shalt  }
0x7e: {  	_ =	shalt  }
0x7f: {  	_ =	shalt  }
0x80: {  	_ =	shalt  }
0x81: {  	_ =	shalt  }
0x82: {  	_ =	shalt  }
0x83: {  	_ =	shalt  }
0x84: {  	_ =	shalt  }
0x85: {  	_ =	shalt  }
0x86: {  	_ =	shalt  }
0x87: {  	_ =	shalt  }
.Lfunc_end0:
.L_simem_size_0:
called_computation.2_lowered:
.L_overlay_start_0:
0x88: {  	s2 =	sld [smem:$0x3FD9]  }
0x89: {  	s3 =	sld [smem:$0x3FFE];
	_ =	sdelay $0x1  }
0x8a: {  	s1 =	srdreg.scid  }
0x8b: {  	s0 =	sand.u32 $0x1, s1  }
0x8c: {  	s16 =	sshll.u32 s0, $0xA;
	s2 =	sadd.s32 s3, s2  }
0x8d: {  	s2 =	sadd.s32 s2, s16  }
0x8e: {  	[smem:$0x3FBE] =	sst s2  }
0x8f: {  	_ = 	snop  }
0x90: {  	(tm) =	ssettm $0x1  }
0x91: {  	s17 =	sld [smem:$0x3FFB];
	_ =	sdelay $0x3  }
0x92: {  	_ =	strace s17  }
0x93: {  	s2 =	sld [smem:$0x3FFC];
	_ =	sdelay $0x3  }
0x94: {  	_ =	strace s2  }
0x95: {  	s2 =	sld [smem:$0x3FFD];
	_ =	sdelay $0x3  }
0x96: {  	_ =	strace s2  }
0x97: {  	_ =	strace $0x8FFFFFFF  }
0x98: {  	s18 =	sld [smem:$0x3FDB];
	_ =	sdelay $0x1  }
0x99: {  	s19 =	simm.s32 $_scs_section_size  }
0x9a: {  	s4 =	simm.s32 $_size__tile_overlayer_lowered;
	s5 =	simm.s32 $_tile_overlayer_lowered  }
0x9b: {  	s22 =	simm.s32 $0x1BFF;
	s21 =	sshll.u32 s5, $0x1;
	s2 =	sadd.s32 s19, s18  }
0x9c: {  	s6 =	simm.s32 $0x0;
	s20 =	sshll.u32 s4, $0x1;
	s4 =	sadd.s32 s21, s2  }
0x9d: {  	[timem:s6], [sflag:s22] =	dma.local [hbm:s4], s20  }
0x9e: {  	_ =	swait.ge [sflag:s22], s20  }
0x9f: {  	s3 =	ssub.s32 $0x0, s20;
	[sflag:s22] =	ssyncset.done $0x0  }
0xa0: {  	[sflag:s22] =	ssyncadd.s32 s3;
	_ =	sdelay $0x1  }
0xa1: {  	s23 =	simm.s32 $0x1B8B  }
0xa2: {  	_ =	swait.ge [sflag:s23], $0x1  }
0xa3: {  	[sflag:s23] =	ssyncset.done $0x0  }
0xa4: {  	s25 =	simm.s32 $0x1B8E;
	s24 =	sld [smem:$0x3FFE];
	[sflag:s23] =	ssyncadd.s32 $0xFFFFFFFF  }
0xa5: {  	s26 =	simm.s32 $execute0_lowered;
	[smem:$0x3FD2] =	sst s25  }
0xa6: {  	s4 =	sshll.u32 s26, $0x1;
	_ =	strace $0x8000004C;
	[dreg:$0x1] =	wrdreg $0xFFFFFFFF  }
0xa7: {  	s28 =	simm.s32 $_size_execute0_lowered;
	s2 =	sadd.s32 s2, s4;
	[dreg:$0x0] =	wrdreg $0x0  }
0xa8: {  	s4 =	sshll.u32 s28, $0x1;
	[dreg:$0x2] =	wrdreg s2  }
0xa9: {  	[dreg:$0x3] =	wrdreg s4  }
0xaa: {  	[dreg:$0x4] =	wrdreg $0xC0  }
0xab: {  	_ =	task [dreg:s6], $0x5FFFF  }
0xac: {  	[dreg:$0x1] =	wrdreg $0xFFFFFFFF  }
0xad: {  	[dreg:$0x0] =	wrdreg $0x60  }
0xae: {  	[dreg:$0x2] =	wrdreg s24  }
0xaf: {  	[dreg:$0x3] =	wrdreg $0xC7400  }
0xb0: {  	[dreg:$0x4] =	wrdreg $0x9  }
0xb1: {  	_ =	task.clear_ibuf [dreg:s6], $0x5FFFF;
	_ =	strace $0x9000004C  }
0xb2: {  	s29 =	simm.s32 $0x9;
	_ =	strace $0x8000004E  }
0xb3: {  	_ =	swait.ge [sflag:s29], $0x1  }
0xb4: {  	[sflag:s29] =	ssyncadd.s32 $0xFFFFFFFF  }
0xb5: {  	_ =	strace $0x9000004E  }
0xb6: {  	_ =	sfence  }
0xb7: {  	s30 =	sld [smem:$0x0];
	_ =	sdelay $0x2  }
0xb8: {  	s31 =	sshll.u32 s1, $0xD;
	s1 =	sshrl.u32 s1, $0x2  }
0xb9: {  	s3 =	sand.u32 $0x4000, s31;
	s1 =	sadd.s32 s1, s30  }
0xba: {  	s0 =	sor.u32 s3, s0;
	s1 =	sshll.u32 s1, $0x11  }
0xbb: {  	s0 =	sor.u32 s1, s0  }
0xbc: {  	s0 =	sadd.s32 $0x8F2B, s0  }
0xbd: {  	[sflag:s0] =	ssyncadd.remote.s32 $0x1  }
0xbe: {  	_ =	sfence.sel $0xFFFF  }
0xbf: {  	[dreg:$0x0] =	wrdreg $0xFFFFFFFF;
	(pc) =	sbr.abs _section_cstart, $3  }
0xc0: {  	[dreg:$0x1] =	wrdreg $0xFFFFFFFF  }
0xc1: {  	_ =	task.clear_ibuf [dreg:s6], $0x2FFFF;
	_ =	strace $0x9FFFFFFF  }
0xc2: {  	(tm) =	ssettm $0x7FFFFFFF  }
0xc3: {  	_ =	shalt  }
tec
execute0_lowered:
.L_overlay_start_1:
0x0: {  	(tag) =	ssettag $0x1  }
0x1: {  	s5 =	rddreg [dreg:$0x0]  }
0x2: {  	s1 =	rddreg [dreg:$0x1];
	s2 =	srdreg.scid  }
0x3: {  	s0 =	rddreg [dreg:$0x2];
	s3 =	simm.s32 $0x0;
	s15 =	simm.s32 $0x80  }
0x4: {  	s16 =	simm.s32 $0x140;
	s17 =	simm.s32 $0x1;
	s6 =	sand.u32 $0x1, s2  }
0x5: {  	s18 =	simm.s32 $0x100;
	s2 =	stileid.u32;
	s4 =	smul.u32 $0x13880, s6  }
0x6: {  	s19 =	simm.s32 $0x120;
	s20 =	simm.s32 $0x20;
	s7 =	smul.u32 $0x13C0, s2  }
0x7: {  	s21 =	simm.s32 $0x2140;
	s22 =	simm.s32 $0x0;
	s8 =	smul.u32 $0x13C00, s6  }
0x8: {  	[smem:$0x7FF] =	sst s3;
	s12 =	sadd.s32 $0x1000, s5;
	s10 =	smul.u32 $0x27800, s2  }
0x9: {  	s11 =	sadd.s32 $0xAE00, s5;
	s28 =	smul.u32 $0x4E20, s2;
	s29 =	ssub.s32 $0x2, s6  }
0xa: {  	_ =	strace $0x8000004D;
	s14 =	smul.u32 $0x9C4, s2;
	s6 =	sshrl.u32 s29, $0x1  }
0xb: {  	s9 =	sadd.s32 s4, s5;
	s7 =	sadd.s32 s7, s8;
	s4 =	sadd.s32 $0xB1200, s5  }
0xc: {  	s30 =	sshrl.u32 s10, $0x2;
	s8 =	sshrl.u32 s28, $0x3;
	s31 =	ssub.s32 s29, s6  }
0xd: {  	s13 =	sadd.s32 s7, s5;
	s5 =	sadd.s32 s30, s1;
	s8 =	sadd.s32 $0x9C0, s8  }
0xe: {  	s6 =	sadd.s32 $0x8A000, s9;
	s10 =	smax.u32 s31, $0x1;
	s7 =	sadd.s32 s12, s8  }
0xf: {  	s8 =	sadd.s32 s11, s8;
	s9 =	sadd.s32 $0x14C00, s13;
	s11 =	sadd.s32 s14, s11  }
0x10: {  	s12 =	sadd.s32 s14, s12;
	s13 =	simm.s32 $0x2940;
	s14 =	simm.s32 $0x2  }
.LBB2_1:
0x11: {  	[tilespmem:s13], [sflag:$0x2] =	stream.linear.gather [hbm4b:s4+s3], $0x9E00, $0x38;
	[tilespmem:$0x16540] =	vst v63  }
0x12: {  	_ =	swait.ge [sflag:s14], $0x9E00  }
0x13: {  	[sflag:s14] =	ssyncset.done $0x0  }
0x14: {  	[sflag:s14] =	ssyncadd.s32 $0xFFFF6200  }
0x15: {  	[spmem:s5] =	stream.linear.scatter [tilespmem:s13], [sflag:$0x2], $0x9E00, $0x38;
	[tilespmem:$0x16540] =	vst v63  }
0x16: {  	_ =	swait.ge [sflag:s14], $0x9E00  }
0x17: {  	[sflag:s14] =	ssyncset.done $0x0  }
0x18: {  	[sflag:s14] =	ssyncadd.s32 $0xFFFF6200  }
0x19: {  	s23 =	sadd.s32 $0x0, s12;
	[bflag:$0x0] =	sbarrier.arrive $0xFFFF  }
0x1a: {  	[tilespmem:s3], [sflag:$0x2] =	stream.linear.gather [hbm4b:s23+s3], $0x80, $0x38;
	[tilespmem:$0x16540] =	vst v63  }
0x1b: {  	_ =	swait.ge [sflag:s14], $0x80  }
0x1c: {  	[sflag:s14] =	ssyncset.done $0x0  }
0x1d: {  	s31 =	sadd.s32 $0x0, s11;
	[sflag:s14] =	ssyncadd.s32 $0xFFFFFF80  }
0x1e: {  	[tilespmem:s15], [sflag:$0x2] =	stream.linear.gather [hbm4b:s31+s3], $0x80, $0x38;
	[tilespmem:$0x16540] =	vst v63  }
0x1f: {  	_ =	swait.ge [sflag:s14], $0x80  }
0x20: {  	[sflag:s14] =	ssyncset.done $0x0  }
0x21: {  	[sflag:s14] =	ssyncadd.s32 $0xFFFFFF80  }
0x22: {  	[tilespmem:s16], [sflag:$0x1] =	stream.indirect.gather [hbm4b:s6+s15], $0x40, s3, s15, $0xb8;
	[tilespmem:$0x16540] =	vst v63  }
0x23: {  	_ =	swait.ge [sflag:s17], $0x2000  }
0x24: {  	[sflag:s17] =	ssyncset.done $0x0  }
0x25: {  	[sflag:s17] =	ssyncadd.s32 $0xFFFFE000  }
0x26: {  	[spmem:s1] =	stream.indirect.scatter.add.f32 [tilespmem:s16], [sflag:$0x2], $0x40, s15, s15, $0xb8;
	[tilespmem:$0x16540] =	vst v63  }
0x27: {  	_ =	swait.ge [sflag:s14], $0x2000  }
0x28: {  	s24 =	simm.s32 $0x20;
	s23 =	simm.s32 $0x10;
	[sflag:s14] =	ssyncset.done $0x0  }
.LBB2_2:
0x29: {  	s25 =	sadd.s32 s23, s12  }
0x2a: {  	[sflag:s14] =	ssyncadd.s32 $0xFFFFE000;
	s26 =	smov.u32 s24;
	s28 =	sadd.s32 $0x10, s24  }
0x2b: {  	[tilespmem:s3], [sflag:$0x2] =	stream.linear.gather [hbm4b:s25+s3], $0x80, $0x38;
	[tilespmem:$0x16540] =	vst v63  }
0x2c: {  	p0 =	sne.s32 s24, $0x9B0;
	_ =	swait.ge [sflag:s14], $0x80  }
0x2d: {  	[sflag:s14] =	ssyncset.done $0x0  }
0x2e: {  	s24 =	sadd.s32 s23, s11;
	s23 =	smov.u32 s26;
	[sflag:s14] =	ssyncadd.s32 $0xFFFFFF80  }
0x2f: {  	[tilespmem:s15], [sflag:$0x2] =	stream.linear.gather [hbm4b:s24+s3], $0x80, $0x38;
	[tilespmem:$0x16540] =	vst v63  }
0x30: {  	_ =	swait.ge [sflag:s14], $0x80  }
0x31: {  	[sflag:s14] =	ssyncset.done $0x0  }
0x32: {  	[sflag:s14] =	ssyncadd.s32 $0xFFFFFF80  }
0x33: {  	[tilespmem:s16], [sflag:$0x1] =	stream.indirect.gather [hbm4b:s6+s15], $0x40, s3, s15, $0xb8;
	[tilespmem:$0x16540] =	vst v63  }
0x34: {  	_ =	swait.ge [sflag:s17], $0x2000  }
.Ltmp0:
0x35: {  	[sflag:s17] =	ssyncset.done $0x0;
	(pc) =	sbr.rel @p0 .LBB2_2-.Ltmp0, $4  }
0x36: {  	[sflag:s17] =	ssyncadd.s32 $0xFFFFE000  }
0x37: {  	[spmem:s1] =	stream.indirect.scatter.add.f32 [tilespmem:s16], [sflag:$0x2], $0x40, s15, s15, $0xb8;
	[tilespmem:$0x16540] =	vst v63  }
0x38: {  	_ =	swait.ge [sflag:s14], $0x2000  }
0x39: {  	s24 =	smov.u32 s28;
	[sflag:s14] =	ssyncset.done $0x0  }
0x3a: {  	s24 =	sadd.s32 s23, s12;
	[sflag:s14] =	ssyncadd.s32 $0xFFFFE000  }
0x3b: {  	[tilespmem:s3], [sflag:$0x2] =	stream.linear.gather [hbm4b:s24+s3], $0x80, $0x38;
	[tilespmem:$0x16540] =	vst v63  }
0x3c: {  	_ =	swait.ge [sflag:s14], $0x80  }
0x3d: {  	[sflag:s14] =	ssyncset.done $0x0  }
0x3e: {  	s31 =	sadd.s32 s23, s11;
	[sflag:s14] =	ssyncadd.s32 $0xFFFFFF80  }
0x3f: {  	[tilespmem:s15], [sflag:$0x2] =	stream.linear.gather [hbm4b:s31+s3], $0x80, $0x38;
	[tilespmem:$0x16540] =	vst v63  }
0x40: {  	_ =	swait.ge [sflag:s14], $0x80  }
0x41: {  	[sflag:s14] =	ssyncset.done $0x0  }
0x42: {  	[sflag:s14] =	ssyncadd.s32 $0xFFFFFF80  }
0x43: {  	[tilespmem:s16], [sflag:$0x1] =	stream.indirect.gather [hbm4b:s6+s15], $0x40, s3, s15, $0xb8;
	[tilespmem:$0x16540] =	vst v63  }
0x44: {  	_ =	swait.ge [sflag:s17], $0x2000  }
0x45: {  	[sflag:s17] =	ssyncset.done $0x0  }
0x46: {  	[sflag:s17] =	ssyncadd.s32 $0xFFFFE000  }
0x47: {  	[spmem:s1] =	stream.indirect.scatter.add.f32 [tilespmem:s16], [sflag:$0x2], $0x40, s15, s15, $0xb8;
	[tilespmem:$0x16540] =	vst v63  }
0x48: {  	_ =	swait.ge [sflag:s14], $0x2000  }
0x49: {  	[sflag:s14] =	ssyncset.done $0x0  }
0x4a: {  	[sflag:s14] =	ssyncadd.s32 $0xFFFFE000  }
0x4b: {  	[tilespmem:s18], [sflag:$0x2] =	stream.linear.gather [hbm4b:s7+s3], $0x20, $0x38;
	[tilespmem:$0x16540] =	vst v63  }
0x4c: {  	_ =	swait.ge [sflag:s14], $0x20  }
0x4d: {  	[sflag:s14] =	ssyncset.done $0x0  }
0x4e: {  	[sflag:s14] =	ssyncadd.s32 $0xFFFFFFE0  }
0x4f: {  	[tilespmem:s19], [sflag:$0x2] =	stream.linear.gather [hbm4b:s8+s3], $0x20, $0x38;
	[tilespmem:$0x16540] =	vst v63  }
0x50: {  	_ =	swait.ge [sflag:s14], $0x20  }
0x51: {  	[sflag:s14] =	ssyncset.done $0x0  }
0x52: {  	[sflag:s14] =	ssyncadd.s32 $0xFFFFFFE0  }
0x53: {  	[tilespmem:s21], [sflag:$0x1] =	stream.indirect.gather [hbm4b:s6+s20], $0x40, s18, s20, $0xb8;
	[tilespmem:$0x16540] =	vst v63  }
0x54: {  	_ =	swait.ge [sflag:s17], $0x800  }
0x55: {  	[sflag:s17] =	ssyncset.done $0x0  }
0x56: {  	[sflag:s17] =	ssyncadd.s32 $0xFFFFF800  }
0x57: {  	[spmem:s1] =	stream.indirect.scatter.add.f32 [tilespmem:s21], [sflag:$0x2], $0x40, s19, s20, $0xb8;
	[tilespmem:$0x16540] =	vst v63  }
0x58: {  	_ =	swait.ge [sflag:s14], $0x800  }
0x59: {  	[sflag:s14] =	ssyncset.done $0x0  }
0x5a: {  	[sflag:s14] =	ssyncadd.s32 $0xFFFFF800  }
0x5b: {  	[bflag:$0x0] =	sbarrier.arrive $0xFFFF  }
0x5c: {  	[tilespmem:s13], [sflag:$0x2] =	stream.linear.gather [spmem:s5], $0x9E00, $0x38;
	[tilespmem:$0x16540] =	vst v63  }
0x5d: {  	s22 =	sadd.s32 $0x1, s22;
	_ =	swait.ge [sflag:s14], $0x9E00  }
0x5e: {  	p0 =	sne.s32 s22, s10;
	[sflag:s14] =	ssyncset.done $0x0  }
.Ltmp1:
0x5f: {  	[sflag:s14] =	ssyncadd.s32 $0xFFFF6200;
	(pc) =	sbr.rel @p0 .LBB2_1-.Ltmp1, $4  }
0x60: {  	[hbm4b:s9+s3] =	stream.linear.scatter [tilespmem:s13], [sflag:$0x2], $0x9E00, $0x38;
	[tilespmem:$0x16540] =	vst v63  }
0x61: {  	_ =	swait.ge [sflag:s14], $0x9E00  }
0x62: {  	[sflag:s14] =	ssyncset.done $0x0  }
0x63: {  	[sflag:s14] =	ssyncadd.s32 $0xFFFF6200  }
0x64: {  	_ =	sfence.sel $0x180000  }
0x65: {  	[bflag:$0x0] =	sbarrier.arrive $0xFFFF  }
0x66: {  	p0 =	sne.s32 s2, $0x0;
	_ =	strace $0x9000004D  }
0x67: {  	s0 =	sadd.s32 @!p0 $0x100000, s0;
	[bflag:$0x2] =	sbarrier.arrive $0xFFFF  }
0x68: {  	[sflag:s0] =	ssyncadd.tile.s32 @!p0 $0x1;
	_ =	shalt  }
.Lfunc_end2:
_tile_overlayer_lowered:
.L_overlay_start_2:
0x69: {  	(tag) =	ssettag $0x2  }
0x6a: {  	s0 =	rddreg [dreg:$0x0];
	s2 =	stileid.u32  }
0x6b: {  	s1 =	rddreg [dreg:$0x1];
	p0 =	sne.s32 s2, $0x0  }
0x6c: {  	s3 =	rddreg [dreg:$0x2];
	[bflag:$0x3] =	sbarrier.arrive $0xFFFF;
	s2 =	simm.s32 @!p0 $0x1C02  }
0x6d: {  	[timem:s3], [sflag:s2] =	dma.local @!p0 [hbm:s0], s1  }
0x6e: {  	s0 =	simm.s32 @!p0 $0x2  }
0x6f: {  	_ =	swait.ge @!p0 [sflag:s0], s1  }
0x70: {  	s1 =	ssub.s32 @!p0 $0x0, s1;
	[sflag:s0] =	ssyncset.done @!p0 $0x0  }
0x71: {  	[sflag:s0] =	ssyncadd.s32 @!p0 s1  }
0x72: {  	[bflag:$0x3] =	sbarrier.arrive $0xFFFF  }
0x73: {  	_ =	shalt  }

// kernel: kernel.8.cloned.1.call-start
scs
__scs_entry_jumppad:
0x0: {  	(pc) =	sbr.rel $0x88, $3  }
0x1: {  	(tag) =	ssettag $0x0;
	lr =	simm.s32 $0x1  }
0x2: {  	[smem:$0x3F97] =	sst lr;
	_ =	strace $0xD0000000  }
0x3: {  	_ = 	snop  }
0x4: {  	_ = 	snop  }
0x5: {  	_ = 	snop  }
0x6: {  	_ = 	snop  }
0x7: {  	_ = 	snop  }
__scs_overlays_trampoline_lowered:
0x8: {  	[smem:$0x3FA6] =	sst s0  }
0x9: {  	[smem:$0x3FA7] =	sst s1  }
0xa: {  	[smem:$0x3FA8] =	sst s2  }
0xb: {  	[smem:$0x3FA9] =	sst s3  }
0xc: {  	[smem:$0x3FAA] =	sst s4  }
0xd: {  	[smem:$0x3FAB] =	sst s5  }
0xe: {  	[smem:$0x3FAC] =	sst s6  }
0xf: {  	[smem:$0x3FAD] =	sst s7  }
0x10: {  	[smem:$0x3FAE] =	sst s8  }
0x11: {  	[smem:$0x3FAF] =	sst s9;
	s0 =	simm.s32 @!p0 $0x0  }
0x12: {  	s1 =	sld [smem:$0x3F95];
	s0 =	simm.s32 @p0 $0x1  }
0x13: {  	[smem:$0x3FB0] =	sst s0;
	s0 =	simm.s32 @!p1 $0x0  }
0x14: {  	s2 =	sld [smem:$0x3F94];
	s0 =	simm.s32 @p1 $0x1  }
0x15: {  	[smem:$0x3FB1] =	sst s0;
	s0 =	simm.s32 @!p2 $0x0  }
0x16: {  	s3 =	sld [smem:$0x3FDB];
	s0 =	simm.s32 @p2 $0x1  }
0x17: {  	s4 =	simm.s32 $0x1BF5;
	[smem:$0x3FB3] =	sst s0  }
0x18: {  	s0 =	sld [smem:$0x3F96];
	_ =	swait.ge [sflag:s4], $0x0  }
0x19: {  	s7 =	sld [smem:$0x3F97]  }
0x1a: {  	s8 =	sadd.s32 $0xFFFFE003, lr  }
0x1b: {  	s9 =	sadd.s32 $0xFFFFFEF7, lr;
	s5 =	simm.s32 $0xFFFFFFFF;
	p2 =	slt.u32 s8, $0xFFFFF086  }
0x1c: {  	p1 =	slt.u32 s9, $0xF7A;
	s5 =	simm.s32 @!p2 $0x0  }
0x1d: {  	s5 =	simm.s32 @p1 $0x1;
	p0 =	seq.s32 s7, s2  }
0x1e: {  	s7 =	smul.u32 @!p0 $0xF7A, s2;
	p2 =	seq.s32 @!p0 s5, $0x0  }
0x1f: {  	s9 =	smul.u32 $0xF7A, s1;
	s8 =	simm.s32 @!p0 $0x1BF5;
	p2 =	por !p2, p0  }
0x20: {  	[sflag:s8] =	ssyncset.s32 @!p0 $0xFFFFF086;
	s6 =	sadd.s32 @!p0 s3, s7;
	s7 =	simm.s32 @!p0 $0x108  }
0x21: {  	s3 =	sadd.s32 s3, s9;
	s6 =	sadd.s32 @!p0 $0x88, s6;
	s7 =	simm.s32 @p2 $0x1082  }
0x22: {  	[simem:s7], [sflag:s8] =	dma.local @!p0 [hbm:s6], $0xF7A  }
0x23: {  	s9 =	sor.u32 $0xD0000000, s2;
	s6 =	simm.s32 $0x108;
	_ =	swait.ge @!p0 [sflag:s8], $0x0  }
0x24: {  	s3 =	sadd.s32 $0x88, s3;
	s6 =	simm.s32 @!p1 $0x1082;
	[sflag:s4] =	ssyncset.s32 $0xFFFFF086  }
0x25: {  	[simem:s6], [sflag:s4] =	dma.local [hbm:s3], $0xF7A  }
0x26: {  	[smem:$0x3F97] =	sst s1;
	(tag) =	ssettag s2;
	_ =	strace s9  }
0x27: {  	s1 =	sld [smem:$0x3FA7]  }
0x28: {  	s2 =	sld [smem:$0x3FA8]  }
0x29: {  	s4 =	sld [smem:$0x3FAA]  }
0x2a: {  	p0 =	seq.s32 s5, $0x0;
	s5 =	sld [smem:$0x3FAB]  }
0x2b: {  	s6 =	sld [smem:$0x3FAC]  }
0x2c: {  	s7 =	sld [smem:$0x3FAD]  }
0x2d: {  	s3 =	simm.s32 $0x108;
	s8 =	sld [smem:$0x3FAE]  }
0x2e: {  	s3 =	simm.s32 @!p0 $0x1082;
	s9 =	sld [smem:$0x3FAF]  }
0x2f: {  	lr =	sadd.s32 s0, s3;
	s0 =	sld [smem:$0x3FA6]  }
0x30: {  	s3 =	sld [smem:$0x3FA9]  }
0x31: {  	[smem:$0x3FB2] =	sst s10  }
0x32: {  	s10 =	sld [smem:$0x3FB0];
	_ =	sdelay $0x3  }
0x33: {  	p0 =	seq.s32 s10, $0x1;
	s10 =	sld [smem:$0x3FB2];
	_ =	sdelay $0x3  }
0x34: {  	[smem:$0x3FB2] =	sst s10  }
0x35: {  	s10 =	sld [smem:$0x3FB1];
	_ =	sdelay $0x3  }
0x36: {  	p1 =	seq.s32 s10, $0x1;
	s10 =	sld [smem:$0x3FB2];
	_ =	sdelay $0x3  }
0x37: {  	[smem:$0x3FB2] =	sst s10  }
0x38: {  	s10 =	sld [smem:$0x3FB3]  }
0x39: {  	_ = 	snop;
	(pc) =	sbr.ind lr, $3  }
0x3a: {  	_ = 	snop  }
0x3b: {  	_ = 	snop  }
0x3c: {  	p2 =	seq.s32 s10, $0x1;
	s10 =	sld [smem:$0x3FB2]  }
0x3d: {  	_ =	shalt  }
0x3e: {  	_ =	shalt  }
0x3f: {  	_ =	shalt  }
0x40: {  	_ =	shalt  }
0x41: {  	_ =	shalt  }
0x42: {  	_ =	shalt  }
0x43: {  	_ =	shalt  }
0x44: {  	_ =	shalt  }
0x45: {  	_ =	shalt  }
0x46: {  	_ =	shalt  }
0x47: {  	_ =	shalt  }
0x48: {  	_ =	shalt  }
0x49: {  	_ =	shalt  }
0x4a: {  	_ =	shalt  }
0x4b: {  	_ =	shalt  }
0x4c: {  	_ =	shalt  }
0x4d: {  	_ =	shalt  }
0x4e: {  	_ =	shalt  }
0x4f: {  	_ =	shalt  }
0x50: {  	_ =	shalt  }
0x51: {  	_ =	shalt  }
0x52: {  	_ =	shalt  }
0x53: {  	_ =	shalt  }
0x54: {  	_ =	shalt  }
0x55: {  	_ =	shalt  }
0x56: {  	_ =	shalt  }
0x57: {  	_ =	shalt  }
0x58: {  	_ =	shalt  }
0x59: {  	_ =	shalt  }
0x5a: {  	_ =	shalt  }
0x5b: {  	_ =	shalt  }
0x5c: {  	_ =	shalt  }
0x5d: {  	_ =	shalt  }
0x5e: {  	_ =	shalt  }
0x5f: {  	_ =	shalt  }
0x60: {  	_ =	shalt  }
0x61: {  	_ =	shalt  }
0x62: {  	_ =	shalt  }
0x63: {  	_ =	shalt  }
0x64: {  	_ =	shalt  }
0x65: {  	_ =	shalt  }
0x66: {  	_ =	shalt  }
0x67: {  	_ =	shalt  }
0x68: {  	_ =	shalt  }
0x69: {  	_ =	shalt  }
0x6a: {  	_ =	shalt  }
0x6b: {  	_ =	shalt  }
0x6c: {  	_ =	shalt  }
0x6d: {  	_ =	shalt  }
0x6e: {  	_ =	shalt  }
0x6f: {  	_ =	shalt  }
0x70: {  	_ =	shalt  }
0x71: {  	_ =	shalt  }
0x72: {  	_ =	shalt  }
0x73: {  	_ =	shalt  }
0x74: {  	_ =	shalt  }
0x75: {  	_ =	shalt  }
0x76: {  	_ =	shalt  }
0x77: {  	_ =	shalt  }
0x78: {  	_ =	shalt  }
0x79: {  	_ =	shalt  }
0x7a: {  	_ =	shalt  }
0x7b: {  	_ =	shalt  }
0x7c: {  	_ =	shalt  }
0x7d: {  	_ =	shalt  }
0x7e: {  	_ =	shalt  }
0x7f: {  	_ =	shalt  }
0x80: {  	_ =	shalt  }
0x81: {  	_ =	shalt  }
0x82: {  	_ =	shalt  }
0x83: {  	_ =	shalt  }
0x84: {  	_ =	shalt  }
0x85: {  	_ =	shalt  }
0x86: {  	_ =	shalt  }
0x87: {  	_ =	shalt  }
.Lfunc_end0:
.L_simem_size_0:
called_computation_lowered:
.L_overlay_start_0:
0x88: {  	s2 =	sld [smem:$0x3FD9]  }
0x89: {  	s3 =	sld [smem:$0x3FFE];
	_ =	sdelay $0x1  }
0x8a: {  	s1 =	srdreg.scid  }
0x8b: {  	s0 =	sand.u32 $0x1, s1  }
0x8c: {  	s17 =	sshll.u32 s0, $0xA;
	s2 =	sadd.s32 s3, s2  }
0x8d: {  	s2 =	sadd.s32 s2, s17  }
0x8e: {  	[smem:$0x3FBE] =	sst s2  }
0x8f: {  	_ = 	snop  }
0x90: {  	s2 =	sld [smem:$0x3FD0];
	(tm) =	ssettm $0x1  }
0x91: {  	s18 =	sld [smem:$0x3FFB];
	_ =	sdelay $0x3  }
0x92: {  	_ =	strace s18  }
0x93: {  	s3 =	sld [smem:$0x3FFC];
	_ =	sdelay $0x3  }
0x94: {  	_ =	strace s3  }
0x95: {  	s3 =	sld [smem:$0x3FFD];
	_ =	sdelay $0x3  }
0x96: {  	_ =	strace s3  }
0x97: {  	_ =	strace $0x8FFFFFFF  }
0x98: {  	s19 =	sld [smem:$0x3FDB];
	_ =	sdelay $0x1  }
0x99: {  	s4 =	simm.s32 $_scs_section_size  }
0x9a: {  	s5 =	simm.s32 $_size__tile_overlayer_lowered;
	s6 =	simm.s32 $_tile_overlayer_lowered  }
0x9b: {  	s22 =	simm.s32 $0x1BFF;
	s21 =	sshll.u32 s6, $0x1;
	s3 =	sadd.s32 s4, s19  }
0x9c: {  	s7 =	simm.s32 $0x0;
	s20 =	sshll.u32 s5, $0x1;
	s5 =	sadd.s32 s21, s3  }
0x9d: {  	[timem:s7], [sflag:s22] =	dma.local [hbm:s5], s20  }
0x9e: {  	_ =	swait.ge [sflag:s22], s20  }
0x9f: {  	s4 =	ssub.s32 $0x0, s20;
	[sflag:s22] =	ssyncset.done $0x0  }
0xa0: {  	[sflag:s22] =	ssyncadd.s32 s4;
	_ =	sdelay $0x1  }
0xa1: {  	s23 =	simm.s32 $0x1B8B  }
0xa2: {  	_ =	swait.ge [sflag:s23], $0x1  }
0xa3: {  	[sflag:s23] =	ssyncset.done $0x0  }
0xa4: {  	s25 =	simm.s32 $0x1B8E;
	s24 =	sld [smem:$0x3FFE];
	[sflag:s23] =	ssyncadd.s32 $0xFFFFFFFF  }
0xa5: {  	s26 =	simm.s32 $execute0_lowered;
	[smem:$0x3FD2] =	sst s25  }
0xa6: {  	s5 =	sshll.u32 s26, $0x1;
	_ =	strace $0x80000046;
	[dreg:$0x1] =	wrdreg $0xFFFFFFFF  }
0xa7: {  	s28 =	simm.s32 $_size_execute0_lowered;
	s3 =	sadd.s32 s3, s5;
	[dreg:$0x0] =	wrdreg $0x0  }
0xa8: {  	s5 =	sshll.u32 s28, $0x1;
	[dreg:$0x2] =	wrdreg s3  }
0xa9: {  	[dreg:$0x3] =	wrdreg s5  }
0xaa: {  	[dreg:$0x4] =	wrdreg $0xC0  }
0xab: {  	_ =	task [dreg:s7], $0x5FFFF  }
0xac: {  	[dreg:$0x1] =	wrdreg $0xFFFFFFFF  }
0xad: {  	[dreg:$0x0] =	wrdreg $0x60  }
0xae: {  	[dreg:$0x2] =	wrdreg s24  }
0xaf: {  	[dreg:$0x3] =	wrdreg s2  }
0xb0: {  	[dreg:$0x4] =	wrdreg $0x31100  }
0xb1: {  	[dreg:$0x5] =	wrdreg $0x9  }
0xb2: {  	_ =	task.clear_ibuf [dreg:s7], $0x6FFFF;
	_ =	strace $0x90000046  }
0xb3: {  	s29 =	simm.s32 $0x9;
	_ =	strace $0x80000048  }
0xb4: {  	_ =	swait.ge [sflag:s29], $0x1  }
0xb5: {  	[sflag:s29] =	ssyncadd.s32 $0xFFFFFFFF  }
0xb6: {  	_ =	strace $0x90000048  }
0xb7: {  	_ =	sfence  }
0xb8: {  	s30 =	sld [smem:$0x0];
	_ =	sdelay $0x2  }
0xb9: {  	s31 =	sshll.u32 s1, $0xD;
	s1 =	sshrl.u32 s1, $0x2  }
0xba: {  	s3 =	sand.u32 $0x4000, s31;
	s1 =	sadd.s32 s1, s30  }
0xbb: {  	s0 =	sor.u32 s3, s0;
	s1 =	sshll.u32 s1, $0x11  }
0xbc: {  	s0 =	sor.u32 s1, s0  }
0xbd: {  	s0 =	sadd.s32 $0x8F2B, s0  }
0xbe: {  	[sflag:s0] =	ssyncadd.remote.s32 $0x1  }
0xbf: {  	_ =	sfence.sel $0xFFFF  }
0xc0: {  	[dreg:$0x0] =	wrdreg $0xFFFFFFFF;
	(pc) =	sbr.abs _section_cstart, $3  }
0xc1: {  	[dreg:$0x1] =	wrdreg $0xFFFFFFFF  }
0xc2: {  	_ =	task.clear_ibuf [dreg:s7], $0x2FFFF;
	_ =	strace $0x9FFFFFFF  }
0xc3: {  	(tm) =	ssettm $0x7FFFFFFF  }
tec
execute0_lowered:
.L_overlay_start_1:
0x0: {  	(tag) =	ssettag $0x1  }
0x1: {  	s6 =	rddreg [dreg:$0x0]  }
0x2: {  	s2 =	rddreg [dreg:$0x1]  }
0x3: {  	s3 =	rddreg [dreg:$0x2]  }
0x4: {  	s0 =	rddreg [dreg:$0x3]  }
0x5: {  	s5 =	srdreg.scid;
	s1 =	stileid.u32  }
0x6: {  	s4 =	simm.s32 $0x0;
	s14 =	simm.s32 $0x990;
	s15 =	simm.s32 $0x80  }
0x7: {  	s16 =	simm.s32 $0x10;
	s17 =	simm.s32 $0x0;
	s8 =	smul.u32 $0x4F0, s1  }
0x8: {  	s7 =	sand.u32 $0x1, s5;
	[smem:$0x7FF] =	sst s4;
	s11 =	smul.u32 $0x9E00, s1  }
0x9: {  	s25 =	sshll.u32 s1, $0x1;
	s12 =	sadd.s32 $0xAE00, s6;
	s13 =	smul.u32 $0x4E20, s1  }
0xa: {  	s5 =	sadd.s32 $0x14C00, s6;
	s9 =	smul.u32 $0x4F00, s7;
	_ =	strace $0x80000047  }
0xb: {  	s10 =	sor.u32 s7, s25;
	s26 =	ssub.s32 $0x2, s7;
	s7 =	smul.u32 $0x2710, s7  }
0xc: {  	s10 =	smul.u32 $0x2710, s10;
	s28 =	sshrl.u32 s26, $0x1;
	s29 =	sshrl.u32 s11, $0x2  }
0xd: {  	s11 =	simm.s32 $0x90;
	s8 =	sadd.s32 s8, s9;
	s9 =	ssub.s32 s26, s28  }
0xe: {  	s30 =	sadd.s32 s7, s13;
	s13 =	simm.s32 $0x890;
	s8 =	sadd.s32 s8, s6  }
0xf: {  	s10 =	sshrl.u32 s10, $0x3;
	s6 =	sadd.s32 s29, s3;
	s31 =	sshrl.u32 s30, $0x3  }
0x10: {  	s9 =	smax.u32 s9, $0x1;
	s10 =	sadd.s32 s12, s10;
	s8 =	sadd.s32 $0x15200, s8  }
0x11: {  	s7 =	sadd.s32 $0x4E0, s10;
	s10 =	sadd.s32 s31, s12;
	s12 =	simm.s32 $0x1  }
.LBB2_1:
0x12: {  	[tilespmem:s11], [sflag:$0x1] =	stream.linear.gather [hbm4b:s2+s4], $0x800, $0x38;
	[tilespmem:$0x5890] =	vst v63  }
0x13: {  	_ =	swait.ge [sflag:s12], $0x800  }
0x14: {  	[sflag:s12] =	ssyncset.done $0x0  }
0x15: {  	[sflag:s12] =	ssyncadd.s32 $0xFFFFF800  }
0x16: {  	[tilespmem:s13], [sflag:$0x1] =	stream.linear.gather [hbm4b:s2+s4], $0x100, $0x38;
	[tilespmem:$0x5890] =	vst v63  }
0x17: {  	_ =	swait.ge [sflag:s12], $0x100  }
0x18: {  	[sflag:s12] =	ssyncset.done $0x0  }
0x19: {  	[sflag:s12] =	ssyncadd.s32 $0xFFFFFF00  }
0x1a: {  	[tilespmem:s14], [sflag:$0x1] =	stream.linear.gather [hbm4b:s5+s4], $0x2780, $0x38;
	[tilespmem:$0x5890] =	vst v63  }
0x1b: {  	_ =	swait.ge [sflag:s12], $0x2780  }
0x1c: {  	[sflag:s12] =	ssyncset.done $0x0  }
0x1d: {  	[sflag:s12] =	ssyncadd.s32 $0xFFFFD880  }
0x1e: {  	[spmem:s6] =	stream.linear.scatter [tilespmem:s14], [sflag:$0x1], $0x2780, $0x38;
	[tilespmem:$0x5890] =	vst v63  }
0x1f: {  	_ =	swait.ge [sflag:s12], $0x2780  }
0x20: {  	[sflag:s12] =	ssyncset.done $0x0  }
0x21: {  	[sflag:s12] =	ssyncadd.s32 $0xFFFFD880  }
0x22: {  	s18 =	sadd.s32 $0x0, s10;
	[bflag:$0x0] =	sbarrier.arrive $0xFFFF  }
0x23: {  	[tilespmem:s4], [sflag:$0x1] =	stream.linear.gather [hbm4b:s18+s4], $0x80, $0x38;
	[tilespmem:$0x5890] =	vst v63  }
0x24: {  	_ =	swait.ge [sflag:s12], $0x80  }
0x25: {  	[sflag:s12] =	ssyncset.done $0x0  }
0x26: {  	[sflag:s12] =	ssyncadd.s32 $0xFFFFFF80  }
0x27: {  	[spmem:s3] =	stream.indirect.scatter.add.f32 [tilespmem:s11], [sflag:$0x1], $0x10, s4, s15, $0xb8;
	[tilespmem:$0x5890] =	vst v63  }
0x28: {  	_ =	swait.ge [sflag:s12], $0x800  }
0x29: {  	s19 =	simm.s32 $0x20;
	s18 =	simm.s32 $0x10;
	[sflag:s12] =	ssyncset.done $0x0  }
.LBB2_2:
0x2a: {  	s20 =	sadd.s32 s18, s10  }
0x2b: {  	[sflag:s12] =	ssyncadd.s32 $0xFFFFF800;
	s18 =	smov.u32 s19;
	s21 =	sadd.s32 $0x10, s19  }
0x2c: {  	[tilespmem:s4], [sflag:$0x1] =	stream.linear.gather [hbm4b:s20+s4], $0x80, $0x38;
	[tilespmem:$0x5890] =	vst v63  }
0x2d: {  	p0 =	sne.s32 s19, $0x4D0;
	_ =	swait.ge [sflag:s12], $0x80  }
.Ltmp0:
0x2e: {  	[sflag:s12] =	ssyncset.done $0x0;
	(pc) =	sbr.rel @p0 .LBB2_2-.Ltmp0, $4  }
0x2f: {  	[sflag:s12] =	ssyncadd.s32 $0xFFFFFF80  }
0x30: {  	[spmem:s3] =	stream.indirect.scatter.add.f32 [tilespmem:s11], [sflag:$0x1], $0x10, s4, s15, $0xb8;
	[tilespmem:$0x5890] =	vst v63  }
0x31: {  	_ =	swait.ge [sflag:s12], $0x800  }
0x32: {  	s19 =	smov.u32 s21;
	[sflag:s12] =	ssyncset.done $0x0  }
0x33: {  	s18 =	sadd.s32 s18, s10;
	[sflag:s12] =	ssyncadd.s32 $0xFFFFF800  }
0x34: {  	[tilespmem:s4], [sflag:$0x1] =	stream.linear.gather [hbm4b:s18+s4], $0x80, $0x38;
	[tilespmem:$0x5890] =	vst v63  }
0x35: {  	_ =	swait.ge [sflag:s12], $0x80  }
0x36: {  	[sflag:s12] =	ssyncset.done $0x0  }
0x37: {  	[sflag:s12] =	ssyncadd.s32 $0xFFFFFF80  }
0x38: {  	[spmem:s3] =	stream.indirect.scatter.add.f32 [tilespmem:s11], [sflag:$0x1], $0x10, s4, s15, $0xb8;
	[tilespmem:$0x5890] =	vst v63  }
0x39: {  	_ =	swait.ge [sflag:s12], $0x800  }
0x3a: {  	[sflag:s12] =	ssyncset.done $0x0  }
0x3b: {  	[sflag:s12] =	ssyncadd.s32 $0xFFFFF800  }
0x3c: {  	[tilespmem:s15], [sflag:$0x1] =	stream.linear.gather [hbm4b:s7+s4], $0x10, $0x38;
	[tilespmem:$0x5890] =	vst v63  }
0x3d: {  	_ =	swait.ge [sflag:s12], $0x10  }
0x3e: {  	[sflag:s12] =	ssyncset.done $0x0  }
0x3f: {  	[sflag:s12] =	ssyncadd.s32 $0xFFFFFFF0  }
0x40: {  	[spmem:s3] =	stream.indirect.scatter.add.f32 [tilespmem:s13], [sflag:$0x1], $0x10, s15, s16, $0xb8;
	[tilespmem:$0x5890] =	vst v63  }
0x41: {  	_ =	swait.ge [sflag:s12], $0x100  }
0x42: {  	[sflag:s12] =	ssyncset.done $0x0  }
0x43: {  	[sflag:s12] =	ssyncadd.s32 $0xFFFFFF00  }
0x44: {  	[bflag:$0x0] =	sbarrier.arrive $0xFFFF  }
0x45: {  	[tilespmem:s14], [sflag:$0x1] =	stream.linear.gather [spmem:s6], $0x2780, $0x38;
	[tilespmem:$0x5890] =	vst v63  }
0x46: {  	s17 =	sadd.s32 $0x1, s17;
	_ =	swait.ge [sflag:s12], $0x2780  }
0x47: {  	p0 =	sne.s32 s17, s9;
	[sflag:s12] =	ssyncset.done $0x0  }
.Ltmp1:
0x48: {  	[sflag:s12] =	ssyncadd.s32 $0xFFFFD880;
	(pc) =	sbr.rel @p0 .LBB2_1-.Ltmp1, $4  }
0x49: {  	[hbm4b:s8+s4] =	stream.linear.scatter [tilespmem:s14], [sflag:$0x1], $0x2780, $0x38;
	[tilespmem:$0x5890] =	vst v63  }
0x4a: {  	_ =	swait.ge [sflag:s12], $0x2780  }
0x4b: {  	[sflag:s12] =	ssyncset.done $0x0  }
0x4c: {  	[sflag:s12] =	ssyncadd.s32 $0xFFFFD880  }
0x4d: {  	_ =	sfence.sel $0x180000  }
0x4e: {  	[bflag:$0x0] =	sbarrier.arrive $0xFFFF  }
0x4f: {  	p0 =	sne.s32 s1, $0x0;
	_ =	strace $0x90000047  }
0x50: {  	s0 =	sadd.s32 @!p0 $0x100000, s0;
	[bflag:$0x2] =	sbarrier.arrive $0xFFFF  }
0x51: {  	[sflag:s0] =	ssyncadd.tile.s32 @!p0 $0x1;
	_ =	shalt  }
.Lfunc_end2:
_tile_overlayer_lowered:
.L_overlay_start_2:
0x52: {  	(tag) =	ssettag $0x2  }
0x53: {  	s0 =	rddreg [dreg:$0x0];
	s2 =	stileid.u32  }
0x54: {  	s1 =	rddreg [dreg:$0x1];
	p0 =	sne.s32 s2, $0x0  }
0x55: {  	s3 =	rddreg [dreg:$0x2];
	[bflag:$0x3] =	sbarrier.arrive $0xFFFF;
	s2 =	simm.s32 @!p0 $0x1C01  }
0x56: {  	[timem:s3], [sflag:s2] =	dma.local @!p0 [hbm:s0], s1  }
0x57: {  	s0 =	simm.s32 @!p0 $0x1  }
0x58: {  	_ =	swait.ge @!p0 [sflag:s0], s1  }
0x59: {  	s1 =	ssub.s32 @!p0 $0x0, s1;
	[sflag:s0] =	ssyncset.done @!p0 $0x0  }
0x5a: {  	[sflag:s0] =	ssyncadd.s32 @!p0 s1  }
0x5b: {  	[bflag:$0x3] =	sbarrier.arrive $0xFFFF  }
0x5c: {  	_ =	shalt  }

</sc_bundles>
